<compile_context>
chip_gen: v7x
topology: tpu7x:2x2x1
jax: 0.10.2.dev20260603
libtpu: 0.0.44.dev20260713+nightly
codegen_flags: <defaults>
</compile_context>

<pallas_src>
import jax
import jax.numpy as jnp
from jax import lax
from jax.experimental import pallas as pl
from jax.experimental.pallas import tpu as pltpu
from jax.experimental.pallas import tpu_sc as plsc

EMB_DIM = 128
BPW = 128
NBUF = 5
LEAD = 3

_vector_mesh = plsc.VectorSubcoreMesh(
    core_axis_name="core", subcore_axis_name="subcore"
)
_NW = 32


def _gather_rows(table, xt):
    hist, batch = xt.shape
    nchunk = hist

    @pl.kernel(
        out_type=jax.ShapeDtypeStruct((hist, batch, EMB_DIM), table.dtype),
        mesh=_vector_mesh,
        scratch_types=[
            pltpu.VMEM((hist, BPW), jnp.int32),
            pltpu.VMEM((NBUF, BPW, EMB_DIM), table.dtype),
            pltpu.SemaphoreType.DMA((NBUF,)),
            pltpu.SemaphoreType.DMA((NBUF,)),
        ],
    )
    def _kernel(table_hbm, xt_hbm, out_hbm, idx_v, bufs, gsem, osem):
        wid = lax.axis_index("subcore") * 2 + lax.axis_index("core")
        col_base = wid * BPW

        def g_start(k, b):
            pltpu.make_async_copy(
                table_hbm.at[idx_v.at[k]], bufs.at[b], gsem.at[b]
            ).start()

        def g_wait(b):
            pltpu.make_async_copy(
                table_hbm.at[idx_v.at[0]], bufs.at[b], gsem.at[b]
            ).wait()

        def o_start(k, b):
            pltpu.make_async_copy(
                bufs.at[b],
                out_hbm.at[k].at[pl.ds(col_base, BPW)],
                osem.at[b],
            ).start()

        def o_wait(b):
            pltpu.make_async_copy(
                bufs.at[b],
                out_hbm.at[0].at[pl.ds(0, BPW)],
                osem.at[b],
            ).wait()

        pltpu.sync_copy(xt_hbm.at[:, pl.ds(col_base, BPW)], idx_v)

        def step(k, kmod):
            if k + LEAD < nchunk:
                if k >= 2:
                    o_wait((kmod + LEAD) % NBUF)
                g_start(k + LEAD, (kmod + LEAD) % NBUF)
            g_wait(kmod % NBUF)
            o_start(k, kmod % NBUF)

        for b in range(LEAD):
            g_start(b, b)

        step(0, 0)
        step(1, 1)

        ngroups = (nchunk - LEAD - 2) // NBUF

        @pl.loop(0, ngroups)
        def _(g):
            for b in range(NBUF):
                k = g * NBUF + b + 2
                o_wait((b + 2 + LEAD) % NBUF)
                g_start(k + LEAD, (b + 2 + LEAD) % NBUF)
                g_wait((b + 2) % NBUF)
                o_start(k, (b + 2) % NBUF)

        for k in range(ngroups * NBUF + 2, nchunk):
            step(k, k % NBUF)

        for b in range(NBUF):
            o_wait(b)

    return _kernel(table, xt)


def kernel(x, emb_weight):
    batch, hist = x.shape
    xt = x.T.astype(jnp.int32)
    out3 = _gather_rows(emb_weight, xt)
    return jnp.transpose(out3, (1, 0, 2))

# --- scband reference (transcript-rebuilt; emitter-appended) ---
"""Pipeline reference for scband-word-embedding-66185446031432 (READ-ONLY COPY).

The authoritative reference and input builder live on the scoring server;
editing this copy changes nothing except your own understanding.
"""

import jax, jax.numpy as jnp
import numpy as np

NTOKEN = 100000
EMB_DIM = 128
BATCH = 4096
HIST = 50

def setup_inputs(seed: int = 0) -> dict:
    key = jax.random.key(seed)
    k1, k2 = jax.random.split(key)
    x = jax.random.randint(k1, (BATCH, HIST), 0, NTOKEN, dtype=jnp.int64 if jax.config.jax_enable_x64 else jnp.int32)
    # Embedding table with ntoken+1 rows; padding_idx = NTOKEN row is zeros
    emb_weight = jax.random.normal(k2, (NTOKEN + 1, EMB_DIM), dtype=jnp.float32)
    emb_weight = emb_weight.at[NTOKEN].set(0.0)
    return {"x": x, "emb_weight": emb_weight}

def reference(x, emb_weight):
    # forward: emb = self.emb(x); emb = self.dropout(emb)
    # dropout is identity in eval mode
    emb = jnp.take(emb_weight, x, axis=0)
    return emb

if __name__ == "__main__":
    import jax
    _d = setup_inputs()
    print(jax.jit(kernel)(*tuple(_d.values())))

</pallas_src>

<mosaic_0001>
#map = affine_map<(d0, d1) -> (0, 0)>
#map1 = affine_map<(d0, d1) -> (0, 0, 0)>
module attributes {stable_mosaic.version = 14 : i64} {
  func.func @_kernel(%arg0: i32, %arg1: i32, %arg2: memref<100001x128xf32, #tpu.memory_space<hbm>>, %arg3: memref<50x4096xi32, #tpu.memory_space<hbm>>, %arg4: memref<50x4096x128xf32, #tpu.memory_space<hbm>>, %arg5: memref<50x128xi32, #tpu.memory_space<vmem>>, %arg6: memref<5x128x128xf32, #tpu.memory_space<vmem>>, %arg7: memref<5x!tpu.dma_semaphore, #tpu.memory_space<semaphore_mem>>, %arg8: memref<5x!tpu.dma_semaphore, #tpu.memory_space<semaphore_mem>>) attributes {dimension_semantics = [#tpu.dimension_semantics<core_parallel>, #tpu.dimension_semantics<subcore_parallel>], iteration_bounds = array<i64: 2, 16>, scalar_prefetch = 0 : i64, scratch_operands = 4 : i64, tpu.core_type = #tpu.core_type<sc_vector_subcore>, window_params = [{transform_indices = #map}, {transform_indices = #map}, {transform_indices = #map1}]} {
    %mul3A = arith.constant 2 : i32
    %mul3A_0 = arith.muli %arg1, %mul3A : i32
    %add3A = arith.addi %mul3A_0, %arg0 : i32
    %mul3A_1 = arith.constant 128 : i32
    %mul3A_2 = arith.muli %add3A, %mul3A_1 : i32
    "tpu.region"() ({
      %run_scoped3A = tpu.sem_alloc : memref<!tpu.dma_semaphore, #tpu.memory_space<semaphore_mem>>
      %dma_start3A_415 = arith.constant 0 : i32
      %dma_start3A_416 = tpu.memref_slice %arg3[%dma_start3A_415, %mul3A_2] : memref<50x4096xi32, #tpu.memory_space<hbm>> -> memref<50x128xi32, #tpu.memory_space<hbm>>
      %dma_start3A_417 = arith.constant 0 : i32
      %dma_start3A_418 = tpu.memref_slice %arg3[%dma_start3A_417, %mul3A_2] : memref<50x4096xi32, #tpu.memory_space<hbm>> -> memref<50x128xi32, #tpu.memory_space<hbm>>
      tpu.enqueue_dma source(%dma_start3A_418 : memref<50x128xi32, #tpu.memory_space<hbm>>) target(%arg5 : memref<50x128xi32, #tpu.memory_space<vmem>>) target_semaphore(%run_scoped3A : memref<!tpu.dma_semaphore, #tpu.memory_space<semaphore_mem>>)
      %dma_wait3A_419 = arith.constant 0 : i32
      %dma_wait3A_420 = tpu.memref_slice %arg3[%dma_wait3A_419, %mul3A_2] : memref<50x4096xi32, #tpu.memory_space<hbm>> -> memref<50x128xi32, #tpu.memory_space<hbm>>
      %dma_wait3A_421 = arith.constant 0 : i32
      %dma_wait3A_422 = tpu.memref_slice %arg3[%dma_wait3A_421, %mul3A_2] : memref<50x4096xi32, #tpu.memory_space<hbm>> -> memref<50x128xi32, #tpu.memory_space<hbm>>
      tpu.wait_dma2 semaphore(%run_scoped3A : memref<!tpu.dma_semaphore, #tpu.memory_space<semaphore_mem>>) src(%dma_wait3A_422 : memref<50x128xi32, #tpu.memory_space<hbm>>) dst(%arg5 : memref<50x128xi32, #tpu.memory_space<vmem>>)
      tpu.yield
    }) : () -> ()
    %dma_start3A = arith.constant 0 : i32
    %dma_start3A_3 = arith.constant 0 : i32
    %dma_start3A_4 = arith.constant 0 : i32
    %dma_start3A_5 = arith.constant 0 : i32
    %dma_start3A_6 = arith.constant 0 : i32
    %dma_start3A_7 = tpu.memref_slice %arg6[%dma_start3A_3, %dma_start3A_5, %dma_start3A_6] : memref<5x128x128xf32, #tpu.memory_space<vmem>> -> memref<1x128x128xf32, #tpu.memory_space<vmem>>
    %dma_start3A_8 = tpu.memref_squeeze %dma_start3A_7 : memref<1x128x128xf32, #tpu.memory_space<vmem>> -> memref<128x128xf32, #tpu.memory_space<vmem>>
    %dma_start3A_9 = arith.constant 0 : i32
    %dma_start3A_10 = tpu.memref_slice %arg5[%dma_start3A, %dma_start3A_9] : memref<50x128xi32, #tpu.memory_space<vmem>> -> memref<1x128xi32, #tpu.memory_space<vmem>>
    %dma_start3A_11 = tpu.memref_squeeze %dma_start3A_10 : memref<1x128xi32, #tpu.memory_space<vmem>> -> memref<128xi32, #tpu.memory_space<vmem>>
    %dma_start3A_12 = arith.constant 0 : i32
    %dma_start3A_13 = arith.constant 0 : i32
    %dma_start3A_14 = tpu.memref_slice %arg2[%dma_start3A_12, %dma_start3A_13] : memref<100001x128xf32, #tpu.memory_space<hbm>> -> memref<100001x128xf32, #tpu.memory_space<hbm>>
    %dma_start3A_15 = tpu.memref_slice %arg7[%dma_start3A_4] : memref<5x!tpu.dma_semaphore, #tpu.memory_space<semaphore_mem>> -> memref<1x!tpu.dma_semaphore, #tpu.memory_space<semaphore_mem>>
    %dma_start3A_16 = tpu.memref_squeeze %dma_start3A_15 : memref<1x!tpu.dma_semaphore, #tpu.memory_space<semaphore_mem>> -> memref<!tpu.dma_semaphore, #tpu.memory_space<semaphore_mem>>
    tpu.enqueue_indirect_dma source(%dma_start3A_14 : memref<100001x128xf32, #tpu.memory_space<hbm>>) target(%dma_start3A_8 : memref<128x128xf32, #tpu.memory_space<vmem>>) offsets(%dma_start3A_11 : memref<128xi32, #tpu.memory_space<vmem>>) semaphore(%dma_start3A_16 : memref<!tpu.dma_semaphore, #tpu.memory_space<semaphore_mem>>)
    %dma_start3A_17 = arith.constant 1 : i32
    %dma_start3A_18 = arith.constant 1 : i32
    %dma_start3A_19 = arith.constant 1 : i32
    %dma_start3A_20 = arith.constant 0 : i32
    %dma_start3A_21 = arith.constant 0 : i32
    %dma_start3A_22 = tpu.memref_slice %arg6[%dma_start3A_18, %dma_start3A_20, %dma_start3A_21] : memref<5x128x128xf32, #tpu.memory_space<vmem>> -> memref<1x128x128xf32, #tpu.memory_space<vmem>>
    %dma_start3A_23 = tpu.memref_squeeze %dma_start3A_22 : memref<1x128x128xf32, #tpu.memory_space<vmem>> -> memref<128x128xf32, #tpu.memory_space<vmem>>
    %dma_start3A_24 = arith.constant 0 : i32
    %dma_start3A_25 = tpu.memref_slice %arg5[%dma_start3A_17, %dma_start3A_24] : memref<50x128xi32, #tpu.memory_space<vmem>> -> memref<1x128xi32, #tpu.memory_space<vmem>>
    %dma_start3A_26 = tpu.memref_squeeze %dma_start3A_25 : memref<1x128xi32, #tpu.memory_space<vmem>> -> memref<128xi32, #tpu.memory_space<vmem>>
    %dma_start3A_27 = arith.constant 0 : i32
    %dma_start3A_28 = arith.constant 0 : i32
    %dma_start3A_29 = tpu.memref_slice %arg2[%dma_start3A_27, %dma_start3A_28] : memref<100001x128xf32, #tpu.memory_space<hbm>> -> memref<100001x128xf32, #tpu.memory_space<hbm>>
    %dma_start3A_30 = tpu.memref_slice %arg7[%dma_start3A_19] : memref<5x!tpu.dma_semaphore, #tpu.memory_space<semaphore_mem>> -> memref<1x!tpu.dma_semaphore, #tpu.memory_space<semaphore_mem>>
    %dma_start3A_31 = tpu.memref_squeeze %dma_start3A_30 : memref<1x!tpu.dma_semaphore, #tpu.memory_space<semaphore_mem>> -> memref<!tpu.dma_semaphore, #tpu.memory_space<semaphore_mem>>
    tpu.enqueue_indirect_dma source(%dma_start3A_29 : memref<100001x128xf32, #tpu.memory_space<hbm>>) target(%dma_start3A_23 : memref<128x128xf32, #tpu.memory_space<vmem>>) offsets(%dma_start3A_26 : memref<128xi32, #tpu.memory_space<vmem>>) semaphore(%dma_start3A_31 : memref<!tpu.dma_semaphore, #tpu.memory_space<semaphore_mem>>)
    %dma_start3A_32 = arith.constant 2 : i32
    %dma_start3A_33 = arith.constant 2 : i32
    %dma_start3A_34 = arith.constant 2 : i32
    %dma_start3A_35 = arith.constant 0 : i32
    %dma_start3A_36 = arith.constant 0 : i32
    %dma_start3A_37 = tpu.memref_slice %arg6[%dma_start3A_33, %dma_start3A_35, %dma_start3A_36] : memref<5x128x128xf32, #tpu.memory_space<vmem>> -> memref<1x128x128xf32, #tpu.memory_space<vmem>>
    %dma_start3A_38 = tpu.memref_squeeze %dma_start3A_37 : memref<1x128x128xf32, #tpu.memory_space<vmem>> -> memref<128x128xf32, #tpu.memory_space<vmem>>
    %dma_start3A_39 = arith.constant 0 : i32
    %dma_start3A_40 = tpu.memref_slice %arg5[%dma_start3A_32, %dma_start3A_39] : memref<50x128xi32, #tpu.memory_space<vmem>> -> memref<1x128xi32, #tpu.memory_space<vmem>>
    %dma_start3A_41 = tpu.memref_squeeze %dma_start3A_40 : memref<1x128xi32, #tpu.memory_space<vmem>> -> memref<128xi32, #tpu.memory_space<vmem>>
    %dma_start3A_42 = arith.constant 0 : i32
    %dma_start3A_43 = arith.constant 0 : i32
    %dma_start3A_44 = tpu.memref_slice %arg2[%dma_start3A_42, %dma_start3A_43] : memref<100001x128xf32, #tpu.memory_space<hbm>> -> memref<100001x128xf32, #tpu.memory_space<hbm>>
    %dma_start3A_45 = tpu.memref_slice %arg7[%dma_start3A_34] : memref<5x!tpu.dma_semaphore, #tpu.memory_space<semaphore_mem>> -> memref<1x!tpu.dma_semaphore, #tpu.memory_space<semaphore_mem>>
    %dma_start3A_46 = tpu.memref_squeeze %dma_start3A_45 : memref<1x!tpu.dma_semaphore, #tpu.memory_space<semaphore_mem>> -> memref<!tpu.dma_semaphore, #tpu.memory_space<semaphore_mem>>
    tpu.enqueue_indirect_dma source(%dma_start3A_44 : memref<100001x128xf32, #tpu.memory_space<hbm>>) target(%dma_start3A_38 : memref<128x128xf32, #tpu.memory_space<vmem>>) offsets(%dma_start3A_41 : memref<128xi32, #tpu.memory_space<vmem>>) semaphore(%dma_start3A_46 : memref<!tpu.dma_semaphore, #tpu.memory_space<semaphore_mem>>)
    %dma_start3A_47 = arith.constant 3 : i32
    %dma_start3A_48 = arith.constant 3 : i32
    %dma_start3A_49 = arith.constant 3 : i32
    %dma_start3A_50 = arith.constant 0 : i32
    %dma_start3A_51 = arith.constant 0 : i32
    %dma_start3A_52 = tpu.memref_slice %arg6[%dma_start3A_48, %dma_start3A_50, %dma_start3A_51] : memref<5x128x128xf32, #tpu.memory_space<vmem>> -> memref<1x128x128xf32, #tpu.memory_space<vmem>>
    %dma_start3A_53 = tpu.memref_squeeze %dma_start3A_52 : memref<1x128x128xf32, #tpu.memory_space<vmem>> -> memref<128x128xf32, #tpu.memory_space<vmem>>
    %dma_start3A_54 = arith.constant 0 : i32
    %dma_start3A_55 = tpu.memref_slice %arg5[%dma_start3A_47, %dma_start3A_54] : memref<50x128xi32, #tpu.memory_space<vmem>> -> memref<1x128xi32, #tpu.memory_space<vmem>>
    %dma_start3A_56 = tpu.memref_squeeze %dma_start3A_55 : memref<1x128xi32, #tpu.memory_space<vmem>> -> memref<128xi32, #tpu.memory_space<vmem>>
    %dma_start3A_57 = arith.constant 0 : i32
    %dma_start3A_58 = arith.constant 0 : i32
    %dma_start3A_59 = tpu.memref_slice %arg2[%dma_start3A_57, %dma_start3A_58] : memref<100001x128xf32, #tpu.memory_space<hbm>> -> memref<100001x128xf32, #tpu.memory_space<hbm>>
    %dma_start3A_60 = tpu.memref_slice %arg7[%dma_start3A_49] : memref<5x!tpu.dma_semaphore, #tpu.memory_space<semaphore_mem>> -> memref<1x!tpu.dma_semaphore, #tpu.memory_space<semaphore_mem>>
    %dma_start3A_61 = tpu.memref_squeeze %dma_start3A_60 : memref<1x!tpu.dma_semaphore, #tpu.memory_space<semaphore_mem>> -> memref<!tpu.dma_semaphore, #tpu.memory_space<semaphore_mem>>
    tpu.enqueue_indirect_dma source(%dma_start3A_59 : memref<100001x128xf32, #tpu.memory_space<hbm>>) target(%dma_start3A_53 : memref<128x128xf32, #tpu.memory_space<vmem>>) offsets(%dma_start3A_56 : memref<128xi32, #tpu.memory_space<vmem>>) semaphore(%dma_start3A_61 : memref<!tpu.dma_semaphore, #tpu.memory_space<semaphore_mem>>)
    %dma_wait3A = arith.constant 0 : i32
    %dma_wait3A_62 = arith.constant 0 : i32
    %dma_wait3A_63 = arith.constant 0 : i32
    %dma_wait3A_64 = arith.constant 0 : i32
    %dma_wait3A_65 = arith.constant 0 : i32
    %dma_wait3A_66 = tpu.memref_slice %arg6[%dma_wait3A_62, %dma_wait3A_64, %dma_wait3A_65] : memref<5x128x128xf32, #tpu.memory_space<vmem>> -> memref<1x128x128xf32, #tpu.memory_space<vmem>>
    %dma_wait3A_67 = tpu.memref_squeeze %dma_wait3A_66 : memref<1x128x128xf32, #tpu.memory_space<vmem>> -> memref<128x128xf32, #tpu.memory_space<vmem>>
    %dma_wait3A_68 = arith.constant 0 : i32
    %dma_wait3A_69 = tpu.memref_slice %arg5[%dma_wait3A, %dma_wait3A_68] : memref<50x128xi32, #tpu.memory_space<vmem>> -> memref<1x128xi32, #tpu.memory_space<vmem>>
    %dma_wait3A_70 = tpu.memref_squeeze %dma_wait3A_69 : memref<1x128xi32, #tpu.memory_space<vmem>> -> memref<128xi32, #tpu.memory_space<vmem>>
    %dma_wait3A_71 = arith.constant 0 : i32
    %dma_wait3A_72 = arith.constant 0 : i32
    %dma_wait3A_73 = tpu.memref_slice %arg2[%dma_wait3A_71, %dma_wait3A_72] : memref<100001x128xf32, #tpu.memory_space<hbm>> -> memref<100001x128xf32, #tpu.memory_space<hbm>>
    %dma_wait3A_74 = tpu.memref_slice %arg7[%dma_wait3A_63] : memref<5x!tpu.dma_semaphore, #tpu.memory_space<semaphore_mem>> -> memref<1x!tpu.dma_semaphore, #tpu.memory_space<semaphore_mem>>
    %dma_wait3A_75 = tpu.memref_squeeze %dma_wait3A_74 : memref<1x!tpu.dma_semaphore, #tpu.memory_space<semaphore_mem>> -> memref<!tpu.dma_semaphore, #tpu.memory_space<semaphore_mem>>
    tpu.wait_indirect_dma semaphore(%dma_wait3A_75 : memref<!tpu.dma_semaphore, #tpu.memory_space<semaphore_mem>>) src(%dma_wait3A_73 : memref<100001x128xf32, #tpu.memory_space<hbm>>) dst(%dma_wait3A_67 : memref<128x128xf32, #tpu.memory_space<vmem>>)
    %dma_start3A_76 = arith.constant 0 : i32
    %dma_start3A_77 = arith.constant 0 : i32
    %dma_start3A_78 = arith.constant 0 : i32
    %dma_start3A_79 = arith.constant 0 : i32
    %dma_start3A_80 = arith.constant 0 : i32
    %dma_start3A_81 = tpu.memref_slice %arg6[%dma_start3A_76, %dma_start3A_79, %dma_start3A_80] : memref<5x128x128xf32, #tpu.memory_space<vmem>> -> memref<1x128x128xf32, #tpu.memory_space<vmem>>
    %dma_start3A_82 = tpu.memref_squeeze %dma_start3A_81 : memref<1x128x128xf32, #tpu.memory_space<vmem>> -> memref<128x128xf32, #tpu.memory_space<vmem>>
    %dma_start3A_83 = arith.constant 0 : i32
    %dma_start3A_84 = arith.constant 0 : i32
    %dma_start3A_85 = tpu.memref_slice %arg4[%dma_start3A_77, %dma_start3A_83, %dma_start3A_84] : memref<50x4096x128xf32, #tpu.memory_space<hbm>> -> memref<1x4096x128xf32, #tpu.memory_space<hbm>>
    %dma_start3A_86 = tpu.memref_squeeze %dma_start3A_85 : memref<1x4096x128xf32, #tpu.memory_space<hbm>> -> memref<4096x128xf32, #tpu.memory_space<hbm>>
    %dma_start3A_87 = arith.constant 0 : i32
    %dma_start3A_88 = tpu.memref_slice %dma_start3A_86[%mul3A_2, %dma_start3A_87] : memref<4096x128xf32, #tpu.memory_space<hbm>> -> memref<128x128xf32, #tpu.memory_space<hbm>>
    %dma_start3A_89 = tpu.memref_slice %arg8[%dma_start3A_78] : memref<5x!tpu.dma_semaphore, #tpu.memory_space<semaphore_mem>> -> memref<1x!tpu.dma_semaphore, #tpu.memory_space<semaphore_mem>>
    %dma_start3A_90 = tpu.memref_squeeze %dma_start3A_89 : memref<1x!tpu.dma_semaphore, #tpu.memory_space<semaphore_mem>> -> memref<!tpu.dma_semaphore, #tpu.memory_space<semaphore_mem>>
    %dma_start3A_91 = arith.constant 0 : i32
    %dma_start3A_92 = arith.constant 0 : i32
    %dma_start3A_93 = tpu.memref_slice %arg4[%dma_start3A_77, %dma_start3A_91, %dma_start3A_92] : memref<50x4096x128xf32, #tpu.memory_space<hbm>> -> memref<1x4096x128xf32, #tpu.memory_space<hbm>>
    %dma_start3A_94 = tpu.memref_squeeze %dma_start3A_93 : memref<1x4096x128xf32, #tpu.memory_space<hbm>> -> memref<4096x128xf32, #tpu.memory_space<hbm>>
    %dma_start3A_95 = arith.constant 0 : i32
    %dma_start3A_96 = tpu.memref_slice %dma_start3A_94[%mul3A_2, %dma_start3A_95] : memref<4096x128xf32, #tpu.memory_space<hbm>> -> memref<128x128xf32, #tpu.memory_space<hbm>>
    %dma_start3A_97 = arith.constant 0 : i32
    %dma_start3A_98 = arith.constant 0 : i32
    %dma_start3A_99 = tpu.memref_slice %arg6[%dma_start3A_76, %dma_start3A_97, %dma_start3A_98] : memref<5x128x128xf32, #tpu.memory_space<vmem>> -> memref<1x128x128xf32, #tpu.memory_space<vmem>>
    %dma_start3A_100 = tpu.memref_squeeze %dma_start3A_99 : memref<1x128x128xf32, #tpu.memory_space<vmem>> -> memref<128x128xf32, #tpu.memory_space<vmem>>
    tpu.enqueue_dma source(%dma_start3A_100 : memref<128x128xf32, #tpu.memory_space<vmem>>) target(%dma_start3A_96 : memref<128x128xf32, #tpu.memory_space<hbm>>) target_semaphore(%dma_start3A_90 : memref<!tpu.dma_semaphore, #tpu.memory_space<semaphore_mem>>)
    %dma_start3A_101 = arith.constant 4 : i32
    %dma_start3A_102 = arith.constant 4 : i32
    %dma_start3A_103 = arith.constant 4 : i32
    %dma_start3A_104 = arith.constant 0 : i32
    %dma_start3A_105 = arith.constant 0 : i32
    %dma_start3A_106 = tpu.memref_slice %arg6[%dma_start3A_102, %dma_start3A_104, %dma_start3A_105] : memref<5x128x128xf32, #tpu.memory_space<vmem>> -> memref<1x128x128xf32, #tpu.memory_space<vmem>>
    %dma_start3A_107 = tpu.memref_squeeze %dma_start3A_106 : memref<1x128x128xf32, #tpu.memory_space<vmem>> -> memref<128x128xf32, #tpu.memory_space<vmem>>
    %dma_start3A_108 = arith.constant 0 : i32
    %dma_start3A_109 = tpu.memref_slice %arg5[%dma_start3A_101, %dma_start3A_108] : memref<50x128xi32, #tpu.memory_space<vmem>> -> memref<1x128xi32, #tpu.memory_space<vmem>>
    %dma_start3A_110 = tpu.memref_squeeze %dma_start3A_109 : memref<1x128xi32, #tpu.memory_space<vmem>> -> memref<128xi32, #tpu.memory_space<vmem>>
    %dma_start3A_111 = arith.constant 0 : i32
    %dma_start3A_112 = arith.constant 0 : i32
    %dma_start3A_113 = tpu.memref_slice %arg2[%dma_start3A_111, %dma_start3A_112] : memref<100001x128xf32, #tpu.memory_space<hbm>> -> memref<100001x128xf32, #tpu.memory_space<hbm>>
    %dma_start3A_114 = tpu.memref_slice %arg7[%dma_start3A_103] : memref<5x!tpu.dma_semaphore, #tpu.memory_space<semaphore_mem>> -> memref<1x!tpu.dma_semaphore, #tpu.memory_space<semaphore_mem>>
    %dma_start3A_115 = tpu.memref_squeeze %dma_start3A_114 : memref<1x!tpu.dma_semaphore, #tpu.memory_space<semaphore_mem>> -> memref<!tpu.dma_semaphore, #tpu.memory_space<semaphore_mem>>
    tpu.enqueue_indirect_dma source(%dma_start3A_113 : memref<100001x128xf32, #tpu.memory_space<hbm>>) target(%dma_start3A_107 : memref<128x128xf32, #tpu.memory_space<vmem>>) offsets(%dma_start3A_110 : memref<128xi32, #tpu.memory_space<vmem>>) semaphore(%dma_start3A_115 : memref<!tpu.dma_semaphore, #tpu.memory_space<semaphore_mem>>)
    %dma_wait3A_116 = arith.constant 0 : i32
    %dma_wait3A_117 = arith.constant 1 : i32
    %dma_wait3A_118 = arith.constant 1 : i32
    %dma_wait3A_119 = arith.constant 0 : i32
    %dma_wait3A_120 = arith.constant 0 : i32
    %dma_wait3A_121 = tpu.memref_slice %arg6[%dma_wait3A_117, %dma_wait3A_119, %dma_wait3A_120] : memref<5x128x128xf32, #tpu.memory_space<vmem>> -> memref<1x128x128xf32, #tpu.memory_space<vmem>>
    %dma_wait3A_122 = tpu.memref_squeeze %dma_wait3A_121 : memref<1x128x128xf32, #tpu.memory_space<vmem>> -> memref<128x128xf32, #tpu.memory_space<vmem>>
    %dma_wait3A_123 = arith.constant 0 : i32
    %dma_wait3A_124 = tpu.memref_slice %arg5[%dma_wait3A_116, %dma_wait3A_123] : memref<50x128xi32, #tpu.memory_space<vmem>> -> memref<1x128xi32, #tpu.memory_space<vmem>>
    %dma_wait3A_125 = tpu.memref_squeeze %dma_wait3A_124 : memref<1x128xi32, #tpu.memory_space<vmem>> -> memref<128xi32, #tpu.memory_space<vmem>>
    %dma_wait3A_126 = arith.constant 0 : i32
    %dma_wait3A_127 = arith.constant 0 : i32
    %dma_wait3A_128 = tpu.memref_slice %arg2[%dma_wait3A_126, %dma_wait3A_127] : memref<100001x128xf32, #tpu.memory_space<hbm>> -> memref<100001x128xf32, #tpu.memory_space<hbm>>
    %dma_wait3A_129 = tpu.memref_slice %arg7[%dma_wait3A_118] : memref<5x!tpu.dma_semaphore, #tpu.memory_space<semaphore_mem>> -> memref<1x!tpu.dma_semaphore, #tpu.memory_space<semaphore_mem>>
    %dma_wait3A_130 = tpu.memref_squeeze %dma_wait3A_129 : memref<1x!tpu.dma_semaphore, #tpu.memory_space<semaphore_mem>> -> memref<!tpu.dma_semaphore, #tpu.memory_space<semaphore_mem>>
    tpu.wait_indirect_dma semaphore(%dma_wait3A_130 : memref<!tpu.dma_semaphore, #tpu.memory_space<semaphore_mem>>) src(%dma_wait3A_128 : memref<100001x128xf32, #tpu.memory_space<hbm>>) dst(%dma_wait3A_122 : memref<128x128xf32, #tpu.memory_space<vmem>>)
    %dma_start3A_131 = arith.constant 1 : i32
    %dma_start3A_132 = arith.constant 1 : i32
    %dma_start3A_133 = arith.constant 1 : i32
    %dma_start3A_134 = arith.constant 0 : i32
    %dma_start3A_135 = arith.constant 0 : i32
    %dma_start3A_136 = tpu.memref_slice %arg6[%dma_start3A_131, %dma_start3A_134, %dma_start3A_135] : memref<5x128x128xf32, #tpu.memory_space<vmem>> -> memref<1x128x128xf32, #tpu.memory_space<vmem>>
    %dma_start3A_137 = tpu.memref_squeeze %dma_start3A_136 : memref<1x128x128xf32, #tpu.memory_space<vmem>> -> memref<128x128xf32, #tpu.memory_space<vmem>>
    %dma_start3A_138 = arith.constant 0 : i32
    %dma_start3A_139 = arith.constant 0 : i32
    %dma_start3A_140 = tpu.memref_slice %arg4[%dma_start3A_132, %dma_start3A_138, %dma_start3A_139] : memref<50x4096x128xf32, #tpu.memory_space<hbm>> -> memref<1x4096x128xf32, #tpu.memory_space<hbm>>
    %dma_start3A_141 = tpu.memref_squeeze %dma_start3A_140 : memref<1x4096x128xf32, #tpu.memory_space<hbm>> -> memref<4096x128xf32, #tpu.memory_space<hbm>>
    %dma_start3A_142 = arith.constant 0 : i32
    %dma_start3A_143 = tpu.memref_slice %dma_start3A_141[%mul3A_2, %dma_start3A_142] : memref<4096x128xf32, #tpu.memory_space<hbm>> -> memref<128x128xf32, #tpu.memory_space<hbm>>
    %dma_start3A_144 = tpu.memref_slice %arg8[%dma_start3A_133] : memref<5x!tpu.dma_semaphore, #tpu.memory_space<semaphore_mem>> -> memref<1x!tpu.dma_semaphore, #tpu.memory_space<semaphore_mem>>
    %dma_start3A_145 = tpu.memref_squeeze %dma_start3A_144 : memref<1x!tpu.dma_semaphore, #tpu.memory_space<semaphore_mem>> -> memref<!tpu.dma_semaphore, #tpu.memory_space<semaphore_mem>>
    %dma_start3A_146 = arith.constant 0 : i32
    %dma_start3A_147 = arith.constant 0 : i32
    %dma_start3A_148 = tpu.memref_slice %arg4[%dma_start3A_132, %dma_start3A_146, %dma_start3A_147] : memref<50x4096x128xf32, #tpu.memory_space<hbm>> -> memref<1x4096x128xf32, #tpu.memory_space<hbm>>
    %dma_start3A_149 = tpu.memref_squeeze %dma_start3A_148 : memref<1x4096x128xf32, #tpu.memory_space<hbm>> -> memref<4096x128xf32, #tpu.memory_space<hbm>>
    %dma_start3A_150 = arith.constant 0 : i32
    %dma_start3A_151 = tpu.memref_slice %dma_start3A_149[%mul3A_2, %dma_start3A_150] : memref<4096x128xf32, #tpu.memory_space<hbm>> -> memref<128x128xf32, #tpu.memory_space<hbm>>
    %dma_start3A_152 = arith.constant 0 : i32
    %dma_start3A_153 = arith.constant 0 : i32
    %dma_start3A_154 = tpu.memref_slice %arg6[%dma_start3A_131, %dma_start3A_152, %dma_start3A_153] : memref<5x128x128xf32, #tpu.memory_space<vmem>> -> memref<1x128x128xf32, #tpu.memory_space<vmem>>
    %dma_start3A_155 = tpu.memref_squeeze %dma_start3A_154 : memref<1x128x128xf32, #tpu.memory_space<vmem>> -> memref<128x128xf32, #tpu.memory_space<vmem>>
    tpu.enqueue_dma source(%dma_start3A_155 : memref<128x128xf32, #tpu.memory_space<vmem>>) target(%dma_start3A_151 : memref<128x128xf32, #tpu.memory_space<hbm>>) target_semaphore(%dma_start3A_145 : memref<!tpu.dma_semaphore, #tpu.memory_space<semaphore_mem>>)
    %scan3A = arith.constant 0 : i32
    %scan3A_156 = arith.constant 9 : i32
    %scan3A_157 = arith.addi %scan3A, %scan3A_156 : i32
    %scan3A_158 = arith.constant 1 : i32
    scf.for %scan3A_415 = %scan3A to %scan3A_157 step %scan3A_158  : i32 {
      %mul3A_416 = arith.constant 1 : i32
      %mul3A_417 = arith.muli %scan3A_415, %mul3A_416 : i32
      %add3A_418 = arith.constant 0 : i32
      %add3A_419 = arith.addi %add3A_418, %mul3A_417 : i32
      %mul3A_420 = arith.constant 5 : i32
      %mul3A_421 = arith.muli %add3A_419, %mul3A_420 : i32
      %add3A_422 = arith.constant 0 : i32
      %add3A_423 = arith.addi %mul3A_421, %add3A_422 : i32
      %add3A_424 = arith.constant 2 : i32
      %add3A_425 = arith.addi %add3A_423, %add3A_424 : i32
      %dma_wait3A_426 = arith.constant 0 : i32
      %dma_wait3A_427 = arith.constant 0 : i32
      %dma_wait3A_428 = arith.constant 0 : i32
      %dma_wait3A_429 = arith.constant 0 : i32
      %dma_wait3A_430 = arith.constant 0 : i32
      %dma_wait3A_431 = tpu.memref_slice %arg6[%dma_wait3A_426, %dma_wait3A_429, %dma_wait3A_430] : memref<5x128x128xf32, #tpu.memory_space<vmem>> -> memref<1x128x128xf32, #tpu.memory_space<vmem>>
      %dma_wait3A_432 = tpu.memref_squeeze %dma_wait3A_431 : memref<1x128x128xf32, #tpu.memory_space<vmem>> -> memref<128x128xf32, #tpu.memory_space<vmem>>
      %dma_wait3A_433 = arith.constant 0 : i32
      %dma_wait3A_434 = arith.constant 0 : i32
      %dma_wait3A_435 = tpu.memref_slice %arg4[%dma_wait3A_427, %dma_wait3A_433, %dma_wait3A_434] : memref<50x4096x128xf32, #tpu.memory_space<hbm>> -> memref<1x4096x128xf32, #tpu.memory_space<hbm>>
      %dma_wait3A_436 = tpu.memref_squeeze %dma_wait3A_435 : memref<1x4096x128xf32, #tpu.memory_space<hbm>> -> memref<4096x128xf32, #tpu.memory_space<hbm>>
      %dma_wait3A_437 = arith.constant 0 : i32
      %dma_wait3A_438 = arith.constant 0 : i32
      %dma_wait3A_439 = tpu.memref_slice %dma_wait3A_436[%dma_wait3A_437, %dma_wait3A_438] : memref<4096x128xf32, #tpu.memory_space<hbm>> -> memref<128x128xf32, #tpu.memory_space<hbm>>
      %dma_wait3A_440 = tpu.memref_slice %arg8[%dma_wait3A_428] : memref<5x!tpu.dma_semaphore, #tpu.memory_space<semaphore_mem>> -> memref<1x!tpu.dma_semaphore, #tpu.memory_space<semaphore_mem>>
      %dma_wait3A_441 = tpu.memref_squeeze %dma_wait3A_440 : memref<1x!tpu.dma_semaphore, #tpu.memory_space<semaphore_mem>> -> memref<!tpu.dma_semaphore, #tpu.memory_space<semaphore_mem>>
      %dma_wait3A_442 = arith.constant 0 : i32
      %dma_wait3A_443 = arith.constant 0 : i32
      %dma_wait3A_444 = tpu.memref_slice %arg4[%dma_wait3A_427, %dma_wait3A_442, %dma_wait3A_443] : memref<50x4096x128xf32, #tpu.memory_space<hbm>> -> memref<1x4096x128xf32, #tpu.memory_space<hbm>>
      %dma_wait3A_445 = tpu.memref_squeeze %dma_wait3A_444 : memref<1x4096x128xf32, #tpu.memory_space<hbm>> -> memref<4096x128xf32, #tpu.memory_space<hbm>>
      %dma_wait3A_446 = arith.constant 0 : i32
      %dma_wait3A_447 = arith.constant 0 : i32
      %dma_wait3A_448 = tpu.memref_slice %dma_wait3A_445[%dma_wait3A_446, %dma_wait3A_447] : memref<4096x128xf32, #tpu.memory_space<hbm>> -> memref<128x128xf32, #tpu.memory_space<hbm>>
      %dma_wait3A_449 = arith.constant 0 : i32
      %dma_wait3A_450 = arith.constant 0 : i32
      %dma_wait3A_451 = tpu.memref_slice %arg6[%dma_wait3A_426, %dma_wait3A_449, %dma_wait3A_450] : memref<5x128x128xf32, #tpu.memory_space<vmem>> -> memref<1x128x128xf32, #tpu.memory_space<vmem>>
      %dma_wait3A_452 = tpu.memref_squeeze %dma_wait3A_451 : memref<1x128x128xf32, #tpu.memory_space<vmem>> -> memref<128x128xf32, #tpu.memory_space<vmem>>
      tpu.wait_dma2 semaphore(%dma_wait3A_441 : memref<!tpu.dma_semaphore, #tpu.memory_space<semaphore_mem>>) src(%dma_wait3A_452 : memref<128x128xf32, #tpu.memory_space<vmem>>) dst(%dma_wait3A_448 : memref<128x128xf32, #tpu.memory_space<hbm>>)
      %add3A_453 = arith.constant 3 : i32
      %add3A_454 = arith.addi %add3A_425, %add3A_453 : i32
      %dma_start3A_455 = arith.constant 0 : i32
      %dma_start3A_456 = arith.constant 0 : i32
      %dma_start3A_457 = arith.constant 0 : i32
      %dma_start3A_458 = arith.constant 0 : i32
      %dma_start3A_459 = tpu.memref_slice %arg6[%dma_start3A_455, %dma_start3A_457, %dma_start3A_458] : memref<5x128x128xf32, #tpu.memory_space<vmem>> -> memref<1x128x128xf32, #tpu.memory_space<vmem>>
      %dma_start3A_460 = tpu.memref_squeeze %dma_start3A_459 : memref<1x128x128xf32, #tpu.memory_space<vmem>> -> memref<128x128xf32, #tpu.memory_space<vmem>>
      %dma_start3A_461 = arith.constant 0 : i32
      %dma_start3A_462 = tpu.memref_slice %arg5[%add3A_454, %dma_start3A_461] : memref<50x128xi32, #tpu.memory_space<vmem>> -> memref<1x128xi32, #tpu.memory_space<vmem>>
      %dma_start3A_463 = tpu.memref_squeeze %dma_start3A_462 : memref<1x128xi32, #tpu.memory_space<vmem>> -> memref<128xi32, #tpu.memory_space<vmem>>
      %dma_start3A_464 = arith.constant 0 : i32
      %dma_start3A_465 = arith.constant 0 : i32
      %dma_start3A_466 = tpu.memref_slice %arg2[%dma_start3A_464, %dma_start3A_465] : memref<100001x128xf32, #tpu.memory_space<hbm>> -> memref<100001x128xf32, #tpu.memory_space<hbm>>
      %dma_start3A_467 = tpu.memref_slice %arg7[%dma_start3A_456] : memref<5x!tpu.dma_semaphore, #tpu.memory_space<semaphore_mem>> -> memref<1x!tpu.dma_semaphore, #tpu.memory_space<semaphore_mem>>
      %dma_start3A_468 = tpu.memref_squeeze %dma_start3A_467 : memref<1x!tpu.dma_semaphore, #tpu.memory_space<semaphore_mem>> -> memref<!tpu.dma_semaphore, #tpu.memory_space<semaphore_mem>>
      tpu.enqueue_indirect_dma source(%dma_start3A_466 : memref<100001x128xf32, #tpu.memory_space<hbm>>) target(%dma_start3A_460 : memref<128x128xf32, #tpu.memory_space<vmem>>) offsets(%dma_start3A_463 : memref<128xi32, #tpu.memory_space<vmem>>) semaphore(%dma_start3A_468 : memref<!tpu.dma_semaphore, #tpu.memory_space<semaphore_mem>>)
      %dma_wait3A_469 = arith.constant 0 : i32
      %dma_wait3A_470 = arith.constant 2 : i32
      %dma_wait3A_471 = arith.constant 2 : i32
      %dma_wait3A_472 = arith.constant 0 : i32
      %dma_wait3A_473 = arith.constant 0 : i32
      %dma_wait3A_474 = tpu.memref_slice %arg6[%dma_wait3A_470, %dma_wait3A_472, %dma_wait3A_473] : memref<5x128x128xf32, #tpu.memory_space<vmem>> -> memref<1x128x128xf32, #tpu.memory_space<vmem>>
      %dma_wait3A_475 = tpu.memref_squeeze %dma_wait3A_474 : memref<1x128x128xf32, #tpu.memory_space<vmem>> -> memref<128x128xf32, #tpu.memory_space<vmem>>
      %dma_wait3A_476 = arith.constant 0 : i32
      %dma_wait3A_477 = tpu.memref_slice %arg5[%dma_wait3A_469, %dma_wait3A_476] : memref<50x128xi32, #tpu.memory_space<vmem>> -> memref<1x128xi32, #tpu.memory_space<vmem>>
      %dma_wait3A_478 = tpu.memref_squeeze %dma_wait3A_477 : memref<1x128xi32, #tpu.memory_space<vmem>> -> memref<128xi32, #tpu.memory_space<vmem>>
      %dma_wait3A_479 = arith.constant 0 : i32
      %dma_wait3A_480 = arith.constant 0 : i32
      %dma_wait3A_481 = tpu.memref_slice %arg2[%dma_wait3A_479, %dma_wait3A_480] : memref<100001x128xf32, #tpu.memory_space<hbm>> -> memref<100001x128xf32, #tpu.memory_space<hbm>>
      %dma_wait3A_482 = tpu.memref_slice %arg7[%dma_wait3A_471] : memref<5x!tpu.dma_semaphore, #tpu.memory_space<semaphore_mem>> -> memref<1x!tpu.dma_semaphore, #tpu.memory_space<semaphore_mem>>
      %dma_wait3A_483 = tpu.memref_squeeze %dma_wait3A_482 : memref<1x!tpu.dma_semaphore, #tpu.memory_space<semaphore_mem>> -> memref<!tpu.dma_semaphore, #tpu.memory_space<semaphore_mem>>
      tpu.wait_indirect_dma semaphore(%dma_wait3A_483 : memref<!tpu.dma_semaphore, #tpu.memory_space<semaphore_mem>>) src(%dma_wait3A_481 : memref<100001x128xf32, #tpu.memory_space<hbm>>) dst(%dma_wait3A_475 : memref<128x128xf32, #tpu.memory_space<vmem>>)
      %dma_start3A_484 = arith.constant 2 : i32
      %dma_start3A_485 = arith.constant 2 : i32
      %dma_start3A_486 = arith.constant 0 : i32
      %dma_start3A_487 = arith.constant 0 : i32
      %dma_start3A_488 = tpu.memref_slice %arg6[%dma_start3A_484, %dma_start3A_486, %dma_start3A_487] : memref<5x128x128xf32, #tpu.memory_space<vmem>> -> memref<1x128x128xf32, #tpu.memory_space<vmem>>
      %dma_start3A_489 = tpu.memref_squeeze %dma_start3A_488 : memref<1x128x128xf32, #tpu.memory_space<vmem>> -> memref<128x128xf32, #tpu.memory_space<vmem>>
      %dma_start3A_490 = arith.constant 0 : i32
      %dma_start3A_491 = arith.constant 0 : i32
      %dma_start3A_492 = tpu.memref_slice %arg4[%add3A_425, %dma_start3A_490, %dma_start3A_491] : memref<50x4096x128xf32, #tpu.memory_space<hbm>> -> memref<1x4096x128xf32, #tpu.memory_space<hbm>>
      %dma_start3A_493 = tpu.memref_squeeze %dma_start3A_492 : memref<1x4096x128xf32, #tpu.memory_space<hbm>> -> memref<4096x128xf32, #tpu.memory_space<hbm>>
      %dma_start3A_494 = arith.constant 0 : i32
      %dma_start3A_495 = tpu.memref_slice %dma_start3A_493[%mul3A_2, %dma_start3A_494] : memref<4096x128xf32, #tpu.memory_space<hbm>> -> memref<128x128xf32, #tpu.memory_space<hbm>>
      %dma_start3A_496 = tpu.memref_slice %arg8[%dma_start3A_485] : memref<5x!tpu.dma_semaphore, #tpu.memory_space<semaphore_mem>> -> memref<1x!tpu.dma_semaphore, #tpu.memory_space<semaphore_mem>>
      %dma_start3A_497 = tpu.memref_squeeze %dma_start3A_496 : memref<1x!tpu.dma_semaphore, #tpu.memory_space<semaphore_mem>> -> memref<!tpu.dma_semaphore, #tpu.memory_space<semaphore_mem>>
      %dma_start3A_498 = arith.constant 0 : i32
      %dma_start3A_499 = arith.constant 0 : i32
      %dma_start3A_500 = tpu.memref_slice %arg4[%add3A_425, %dma_start3A_498, %dma_start3A_499] : memref<50x4096x128xf32, #tpu.memory_space<hbm>> -> memref<1x4096x128xf32, #tpu.memory_space<hbm>>
      %dma_start3A_501 = tpu.memref_squeeze %dma_start3A_500 : memref<1x4096x128xf32, #tpu.memory_space<hbm>> -> memref<4096x128xf32, #tpu.memory_space<hbm>>
      %dma_start3A_502 = arith.constant 0 : i32
      %dma_start3A_503 = tpu.memref_slice %dma_start3A_501[%mul3A_2, %dma_start3A_502] : memref<4096x128xf32, #tpu.memory_space<hbm>> -> memref<128x128xf32, #tpu.memory_space<hbm>>
      %dma_start3A_504 = arith.constant 0 : i32
      %dma_start3A_505 = arith.constant 0 : i32
      %dma_start3A_506 = tpu.memref_slice %arg6[%dma_start3A_484, %dma_start3A_504, %dma_start3A_505] : memref<5x128x128xf32, #tpu.memory_space<vmem>> -> memref<1x128x128xf32, #tpu.memory_space<vmem>>
      %dma_start3A_507 = tpu.memref_squeeze %dma_start3A_506 : memref<1x128x128xf32, #tpu.memory_space<vmem>> -> memref<128x128xf32, #tpu.memory_space<vmem>>
      tpu.enqueue_dma source(%dma_start3A_507 : memref<128x128xf32, #tpu.memory_space<vmem>>) target(%dma_start3A_503 : memref<128x128xf32, #tpu.memory_space<hbm>>) target_semaphore(%dma_start3A_497 : memref<!tpu.dma_semaphore, #tpu.memory_space<semaphore_mem>>)
      %mul3A_508 = arith.constant 5 : i32
      %mul3A_509 = arith.muli %add3A_419, %mul3A_508 : i32
      %add3A_510 = arith.constant 1 : i32
      %add3A_511 = arith.addi %mul3A_509, %add3A_510 : i32
      %add3A_512 = arith.constant 2 : i32
      %add3A_513 = arith.addi %add3A_511, %add3A_512 : i32
      %dma_wait3A_514 = arith.constant 1 : i32
      %dma_wait3A_515 = arith.constant 0 : i32
      %dma_wait3A_516 = arith.constant 1 : i32
      %dma_wait3A_517 = arith.constant 0 : i32
      %dma_wait3A_518 = arith.constant 0 : i32
      %dma_wait3A_519 = tpu.memref_slice %arg6[%dma_wait3A_514, %dma_wait3A_517, %dma_wait3A_518] : memref<5x128x128xf32, #tpu.memory_space<vmem>> -> memref<1x128x128xf32, #tpu.memory_space<vmem>>
      %dma_wait3A_520 = tpu.memref_squeeze %dma_wait3A_519 : memref<1x128x128xf32, #tpu.memory_space<vmem>> -> memref<128x128xf32, #tpu.memory_space<vmem>>
      %dma_wait3A_521 = arith.constant 0 : i32
      %dma_wait3A_522 = arith.constant 0 : i32
      %dma_wait3A_523 = tpu.memref_slice %arg4[%dma_wait3A_515, %dma_wait3A_521, %dma_wait3A_522] : memref<50x4096x128xf32, #tpu.memory_space<hbm>> -> memref<1x4096x128xf32, #tpu.memory_space<hbm>>
      %dma_wait3A_524 = tpu.memref_squeeze %dma_wait3A_523 : memref<1x4096x128xf32, #tpu.memory_space<hbm>> -> memref<4096x128xf32, #tpu.memory_space<hbm>>
      %dma_wait3A_525 = arith.constant 0 : i32
      %dma_wait3A_526 = arith.constant 0 : i32
      %dma_wait3A_527 = tpu.memref_slice %dma_wait3A_524[%dma_wait3A_525, %dma_wait3A_526] : memref<4096x128xf32, #tpu.memory_space<hbm>> -> memref<128x128xf32, #tpu.memory_space<hbm>>
      %dma_wait3A_528 = tpu.memref_slice %arg8[%dma_wait3A_516] : memref<5x!tpu.dma_semaphore, #tpu.memory_space<semaphore_mem>> -> memref<1x!tpu.dma_semaphore, #tpu.memory_space<semaphore_mem>>
      %dma_wait3A_529 = tpu.memref_squeeze %dma_wait3A_528 : memref<1x!tpu.dma_semaphore, #tpu.memory_space<semaphore_mem>> -> memref<!tpu.dma_semaphore, #tpu.memory_space<semaphore_mem>>
      %dma_wait3A_530 = arith.constant 0 : i32
      %dma_wait3A_531 = arith.constant 0 : i32
      %dma_wait3A_532 = tpu.memref_slice %arg4[%dma_wait3A_515, %dma_wait3A_530, %dma_wait3A_531] : memref<50x4096x128xf32, #tpu.memory_space<hbm>> -> memref<1x4096x128xf32, #tpu.memory_space<hbm>>
      %dma_wait3A_533 = tpu.memref_squeeze %dma_wait3A_532 : memref<1x4096x128xf32, #tpu.memory_space<hbm>> -> memref<4096x128xf32, #tpu.memory_space<hbm>>
      %dma_wait3A_534 = arith.constant 0 : i32
      %dma_wait3A_535 = arith.constant 0 : i32
      %dma_wait3A_536 = tpu.memref_slice %dma_wait3A_533[%dma_wait3A_534, %dma_wait3A_535] : memref<4096x128xf32, #tpu.memory_space<hbm>> -> memref<128x128xf32, #tpu.memory_space<hbm>>
      %dma_wait3A_537 = arith.constant 0 : i32
      %dma_wait3A_538 = arith.constant 0 : i32
      %dma_wait3A_539 = tpu.memref_slice %arg6[%dma_wait3A_514, %dma_wait3A_537, %dma_wait3A_538] : memref<5x128x128xf32, #tpu.memory_space<vmem>> -> memref<1x128x128xf32, #tpu.memory_space<vmem>>
      %dma_wait3A_540 = tpu.memref_squeeze %dma_wait3A_539 : memref<1x128x128xf32, #tpu.memory_space<vmem>> -> memref<128x128xf32, #tpu.memory_space<vmem>>
      tpu.wait_dma2 semaphore(%dma_wait3A_529 : memref<!tpu.dma_semaphore, #tpu.memory_space<semaphore_mem>>) src(%dma_wait3A_540 : memref<128x128xf32, #tpu.memory_space<vmem>>) dst(%dma_wait3A_536 : memref<128x128xf32, #tpu.memory_space<hbm>>)
      %add3A_541 = arith.constant 3 : i32
      %add3A_542 = arith.addi %add3A_513, %add3A_541 : i32
      %dma_start3A_543 = arith.constant 1 : i32
      %dma_start3A_544 = arith.constant 1 : i32
      %dma_start3A_545 = arith.constant 0 : i32
      %dma_start3A_546 = arith.constant 0 : i32
      %dma_start3A_547 = tpu.memref_slice %arg6[%dma_start3A_543, %dma_start3A_545, %dma_start3A_546] : memref<5x128x128xf32, #tpu.memory_space<vmem>> -> memref<1x128x128xf32, #tpu.memory_space<vmem>>
      %dma_start3A_548 = tpu.memref_squeeze %dma_start3A_547 : memref<1x128x128xf32, #tpu.memory_space<vmem>> -> memref<128x128xf32, #tpu.memory_space<vmem>>
      %dma_start3A_549 = arith.constant 0 : i32
      %dma_start3A_550 = tpu.memref_slice %arg5[%add3A_542, %dma_start3A_549] : memref<50x128xi32, #tpu.memory_space<vmem>> -> memref<1x128xi32, #tpu.memory_space<vmem>>
      %dma_start3A_551 = tpu.memref_squeeze %dma_start3A_550 : memref<1x128xi32, #tpu.memory_space<vmem>> -> memref<128xi32, #tpu.memory_space<vmem>>
      %dma_start3A_552 = arith.constant 0 : i32
      %dma_start3A_553 = arith.constant 0 : i32
      %dma_start3A_554 = tpu.memref_slice %arg2[%dma_start3A_552, %dma_start3A_553] : memref<100001x128xf32, #tpu.memory_space<hbm>> -> memref<100001x128xf32, #tpu.memory_space<hbm>>
      %dma_start3A_555 = tpu.memref_slice %arg7[%dma_start3A_544] : memref<5x!tpu.dma_semaphore, #tpu.memory_space<semaphore_mem>> -> memref<1x!tpu.dma_semaphore, #tpu.memory_space<semaphore_mem>>
      %dma_start3A_556 = tpu.memref_squeeze %dma_start3A_555 : memref<1x!tpu.dma_semaphore, #tpu.memory_space<semaphore_mem>> -> memref<!tpu.dma_semaphore, #tpu.memory_space<semaphore_mem>>
      tpu.enqueue_indirect_dma source(%dma_start3A_554 : memref<100001x128xf32, #tpu.memory_space<hbm>>) target(%dma_start3A_548 : memref<128x128xf32, #tpu.memory_space<vmem>>) offsets(%dma_start3A_551 : memref<128xi32, #tpu.memory_space<vmem>>) semaphore(%dma_start3A_556 : memref<!tpu.dma_semaphore, #tpu.memory_space<semaphore_mem>>)
      %dma_wait3A_557 = arith.constant 0 : i32
      %dma_wait3A_558 = arith.constant 3 : i32
      %dma_wait3A_559 = arith.constant 3 : i32
      %dma_wait3A_560 = arith.constant 0 : i32
      %dma_wait3A_561 = arith.constant 0 : i32
      %dma_wait3A_562 = tpu.memref_slice %arg6[%dma_wait3A_558, %dma_wait3A_560, %dma_wait3A_561] : memref<5x128x128xf32, #tpu.memory_space<vmem>> -> memref<1x128x128xf32, #tpu.memory_space<vmem>>
      %dma_wait3A_563 = tpu.memref_squeeze %dma_wait3A_562 : memref<1x128x128xf32, #tpu.memory_space<vmem>> -> memref<128x128xf32, #tpu.memory_space<vmem>>
      %dma_wait3A_564 = arith.constant 0 : i32
      %dma_wait3A_565 = tpu.memref_slice %arg5[%dma_wait3A_557, %dma_wait3A_564] : memref<50x128xi32, #tpu.memory_space<vmem>> -> memref<1x128xi32, #tpu.memory_space<vmem>>
      %dma_wait3A_566 = tpu.memref_squeeze %dma_wait3A_565 : memref<1x128xi32, #tpu.memory_space<vmem>> -> memref<128xi32, #tpu.memory_space<vmem>>
      %dma_wait3A_567 = arith.constant 0 : i32
      %dma_wait3A_568 = arith.constant 0 : i32
      %dma_wait3A_569 = tpu.memref_slice %arg2[%dma_wait3A_567, %dma_wait3A_568] : memref<100001x128xf32, #tpu.memory_space<hbm>> -> memref<100001x128xf32, #tpu.memory_space<hbm>>
      %dma_wait3A_570 = tpu.memref_slice %arg7[%dma_wait3A_559] : memref<5x!tpu.dma_semaphore, #tpu.memory_space<semaphore_mem>> -> memref<1x!tpu.dma_semaphore, #tpu.memory_space<semaphore_mem>>
      %dma_wait3A_571 = tpu.memref_squeeze %dma_wait3A_570 : memref<1x!tpu.dma_semaphore, #tpu.memory_space<semaphore_mem>> -> memref<!tpu.dma_semaphore, #tpu.memory_space<semaphore_mem>>
      tpu.wait_indirect_dma semaphore(%dma_wait3A_571 : memref<!tpu.dma_semaphore, #tpu.memory_space<semaphore_mem>>) src(%dma_wait3A_569 : memref<100001x128xf32, #tpu.memory_space<hbm>>) dst(%dma_wait3A_563 : memref<128x128xf32, #tpu.memory_space<vmem>>)
      %dma_start3A_572 = arith.constant 3 : i32
      %dma_start3A_573 = arith.constant 3 : i32
      %dma_start3A_574 = arith.constant 0 : i32
      %dma_start3A_575 = arith.constant 0 : i32
      %dma_start3A_576 = tpu.memref_slice %arg6[%dma_start3A_572, %dma_start3A_574, %dma_start3A_575] : memref<5x128x128xf32, #tpu.memory_space<vmem>> -> memref<1x128x128xf32, #tpu.memory_space<vmem>>
      %dma_start3A_577 = tpu.memref_squeeze %dma_start3A_576 : memref<1x128x128xf32, #tpu.memory_space<vmem>> -> memref<128x128xf32, #tpu.memory_space<vmem>>
      %dma_start3A_578 = arith.constant 0 : i32
      %dma_start3A_579 = arith.constant 0 : i32
      %dma_start3A_580 = tpu.memref_slice %arg4[%add3A_513, %dma_start3A_578, %dma_start3A_579] : memref<50x4096x128xf32, #tpu.memory_space<hbm>> -> memref<1x4096x128xf32, #tpu.memory_space<hbm>>
      %dma_start3A_581 = tpu.memref_squeeze %dma_start3A_580 : memref<1x4096x128xf32, #tpu.memory_space<hbm>> -> memref<4096x128xf32, #tpu.memory_space<hbm>>
      %dma_start3A_582 = arith.constant 0 : i32
      %dma_start3A_583 = tpu.memref_slice %dma_start3A_581[%mul3A_2, %dma_start3A_582] : memref<4096x128xf32, #tpu.memory_space<hbm>> -> memref<128x128xf32, #tpu.memory_space<hbm>>
      %dma_start3A_584 = tpu.memref_slice %arg8[%dma_start3A_573] : memref<5x!tpu.dma_semaphore, #tpu.memory_space<semaphore_mem>> -> memref<1x!tpu.dma_semaphore, #tpu.memory_space<semaphore_mem>>
      %dma_start3A_585 = tpu.memref_squeeze %dma_start3A_584 : memref<1x!tpu.dma_semaphore, #tpu.memory_space<semaphore_mem>> -> memref<!tpu.dma_semaphore, #tpu.memory_space<semaphore_mem>>
      %dma_start3A_586 = arith.constant 0 : i32
      %dma_start3A_587 = arith.constant 0 : i32
      %dma_start3A_588 = tpu.memref_slice %arg4[%add3A_513, %dma_start3A_586, %dma_start3A_587] : memref<50x4096x128xf32, #tpu.memory_space<hbm>> -> memref<1x4096x128xf32, #tpu.memory_space<hbm>>
      %dma_start3A_589 = tpu.memref_squeeze %dma_start3A_588 : memref<1x4096x128xf32, #tpu.memory_space<hbm>> -> memref<4096x128xf32, #tpu.memory_space<hbm>>
      %dma_start3A_590 = arith.constant 0 : i32
      %dma_start3A_591 = tpu.memref_slice %dma_start3A_589[%mul3A_2, %dma_start3A_590] : memref<4096x128xf32, #tpu.memory_space<hbm>> -> memref<128x128xf32, #tpu.memory_space<hbm>>
      %dma_start3A_592 = arith.constant 0 : i32
      %dma_start3A_593 = arith.constant 0 : i32
      %dma_start3A_594 = tpu.memref_slice %arg6[%dma_start3A_572, %dma_start3A_592, %dma_start3A_593] : memref<5x128x128xf32, #tpu.memory_space<vmem>> -> memref<1x128x128xf32, #tpu.memory_space<vmem>>
      %dma_start3A_595 = tpu.memref_squeeze %dma_start3A_594 : memref<1x128x128xf32, #tpu.memory_space<vmem>> -> memref<128x128xf32, #tpu.memory_space<vmem>>
      tpu.enqueue_dma source(%dma_start3A_595 : memref<128x128xf32, #tpu.memory_space<vmem>>) target(%dma_start3A_591 : memref<128x128xf32, #tpu.memory_space<hbm>>) target_semaphore(%dma_start3A_585 : memref<!tpu.dma_semaphore, #tpu.memory_space<semaphore_mem>>)
      %mul3A_596 = arith.constant 5 : i32
      %mul3A_597 = arith.muli %add3A_419, %mul3A_596 : i32
      %add3A_598 = arith.constant 2 : i32
      %add3A_599 = arith.addi %mul3A_597, %add3A_598 : i32
      %add3A_600 = arith.constant 2 : i32
      %add3A_601 = arith.addi %add3A_599, %add3A_600 : i32
      %dma_wait3A_602 = arith.constant 2 : i32
      %dma_wait3A_603 = arith.constant 0 : i32
      %dma_wait3A_604 = arith.constant 2 : i32
      %dma_wait3A_605 = arith.constant 0 : i32
      %dma_wait3A_606 = arith.constant 0 : i32
      %dma_wait3A_607 = tpu.memref_slice %arg6[%dma_wait3A_602, %dma_wait3A_605, %dma_wait3A_606] : memref<5x128x128xf32, #tpu.memory_space<vmem>> -> memref<1x128x128xf32, #tpu.memory_space<vmem>>
      %dma_wait3A_608 = tpu.memref_squeeze %dma_wait3A_607 : memref<1x128x128xf32, #tpu.memory_space<vmem>> -> memref<128x128xf32, #tpu.memory_space<vmem>>
      %dma_wait3A_609 = arith.constant 0 : i32
      %dma_wait3A_610 = arith.constant 0 : i32
      %dma_wait3A_611 = tpu.memref_slice %arg4[%dma_wait3A_603, %dma_wait3A_609, %dma_wait3A_610] : memref<50x4096x128xf32, #tpu.memory_space<hbm>> -> memref<1x4096x128xf32, #tpu.memory_space<hbm>>
      %dma_wait3A_612 = tpu.memref_squeeze %dma_wait3A_611 : memref<1x4096x128xf32, #tpu.memory_space<hbm>> -> memref<4096x128xf32, #tpu.memory_space<hbm>>
      %dma_wait3A_613 = arith.constant 0 : i32
      %dma_wait3A_614 = arith.constant 0 : i32
      %dma_wait3A_615 = tpu.memref_slice %dma_wait3A_612[%dma_wait3A_613, %dma_wait3A_614] : memref<4096x128xf32, #tpu.memory_space<hbm>> -> memref<128x128xf32, #tpu.memory_space<hbm>>
      %dma_wait3A_616 = tpu.memref_slice %arg8[%dma_wait3A_604] : memref<5x!tpu.dma_semaphore, #tpu.memory_space<semaphore_mem>> -> memref<1x!tpu.dma_semaphore, #tpu.memory_space<semaphore_mem>>
      %dma_wait3A_617 = tpu.memref_squeeze %dma_wait3A_616 : memref<1x!tpu.dma_semaphore, #tpu.memory_space<semaphore_mem>> -> memref<!tpu.dma_semaphore, #tpu.memory_space<semaphore_mem>>
      %dma_wait3A_618 = arith.constant 0 : i32
      %dma_wait3A_619 = arith.constant 0 : i32
      %dma_wait3A_620 = tpu.memref_slice %arg4[%dma_wait3A_603, %dma_wait3A_618, %dma_wait3A_619] : memref<50x4096x128xf32, #tpu.memory_space<hbm>> -> memref<1x4096x128xf32, #tpu.memory_space<hbm>>
      %dma_wait3A_621 = tpu.memref_squeeze %dma_wait3A_620 : memref<1x4096x128xf32, #tpu.memory_space<hbm>> -> memref<4096x128xf32, #tpu.memory_space<hbm>>
      %dma_wait3A_622 = arith.constant 0 : i32
      %dma_wait3A_623 = arith.constant 0 : i32
      %dma_wait3A_624 = tpu.memref_slice %dma_wait3A_621[%dma_wait3A_622, %dma_wait3A_623] : memref<4096x128xf32, #tpu.memory_space<hbm>> -> memref<128x128xf32, #tpu.memory_space<hbm>>
      %dma_wait3A_625 = arith.constant 0 : i32
      %dma_wait3A_626 = arith.constant 0 : i32
      %dma_wait3A_627 = tpu.memref_slice %arg6[%dma_wait3A_602, %dma_wait3A_625, %dma_wait3A_626] : memref<5x128x128xf32, #tpu.memory_space<vmem>> -> memref<1x128x128xf32, #tpu.memory_space<vmem>>
      %dma_wait3A_628 = tpu.memref_squeeze %dma_wait3A_627 : memref<1x128x128xf32, #tpu.memory_space<vmem>> -> memref<128x128xf32, #tpu.memory_space<vmem>>
      tpu.wait_dma2 semaphore(%dma_wait3A_617 : memref<!tpu.dma_semaphore, #tpu.memory_space<semaphore_mem>>) src(%dma_wait3A_628 : memref<128x128xf32, #tpu.memory_space<vmem>>) dst(%dma_wait3A_624 : memref<128x128xf32, #tpu.memory_space<hbm>>)
      %add3A_629 = arith.constant 3 : i32
      %add3A_630 = arith.addi %add3A_601, %add3A_629 : i32
      %dma_start3A_631 = arith.constant 2 : i32
      %dma_start3A_632 = arith.constant 2 : i32
      %dma_start3A_633 = arith.constant 0 : i32
      %dma_start3A_634 = arith.constant 0 : i32
      %dma_start3A_635 = tpu.memref_slice %arg6[%dma_start3A_631, %dma_start3A_633, %dma_start3A_634] : memref<5x128x128xf32, #tpu.memory_space<vmem>> -> memref<1x128x128xf32, #tpu.memory_space<vmem>>
      %dma_start3A_636 = tpu.memref_squeeze %dma_start3A_635 : memref<1x128x128xf32, #tpu.memory_space<vmem>> -> memref<128x128xf32, #tpu.memory_space<vmem>>
      %dma_start3A_637 = arith.constant 0 : i32
      %dma_start3A_638 = tpu.memref_slice %arg5[%add3A_630, %dma_start3A_637] : memref<50x128xi32, #tpu.memory_space<vmem>> -> memref<1x128xi32, #tpu.memory_space<vmem>>
      %dma_start3A_639 = tpu.memref_squeeze %dma_start3A_638 : memref<1x128xi32, #tpu.memory_space<vmem>> -> memref<128xi32, #tpu.memory_space<vmem>>
      %dma_start3A_640 = arith.constant 0 : i32
      %dma_start3A_641 = arith.constant 0 : i32
      %dma_start3A_642 = tpu.memref_slice %arg2[%dma_start3A_640, %dma_start3A_641] : memref<100001x128xf32, #tpu.memory_space<hbm>> -> memref<100001x128xf32, #tpu.memory_space<hbm>>
      %dma_start3A_643 = tpu.memref_slice %arg7[%dma_start3A_632] : memref<5x!tpu.dma_semaphore, #tpu.memory_space<semaphore_mem>> -> memref<1x!tpu.dma_semaphore, #tpu.memory_space<semaphore_mem>>
      %dma_start3A_644 = tpu.memref_squeeze %dma_start3A_643 : memref<1x!tpu.dma_semaphore, #tpu.memory_space<semaphore_mem>> -> memref<!tpu.dma_semaphore, #tpu.memory_space<semaphore_mem>>
      tpu.enqueue_indirect_dma source(%dma_start3A_642 : memref<100001x128xf32, #tpu.memory_space<hbm>>) target(%dma_start3A_636 : memref<128x128xf32, #tpu.memory_space<vmem>>) offsets(%dma_start3A_639 : memref<128xi32, #tpu.memory_space<vmem>>) semaphore(%dma_start3A_644 : memref<!tpu.dma_semaphore, #tpu.memory_space<semaphore_mem>>)
      %dma_wait3A_645 = arith.constant 0 : i32
      %dma_wait3A_646 = arith.constant 4 : i32
      %dma_wait3A_647 = arith.constant 4 : i32
      %dma_wait3A_648 = arith.constant 0 : i32
      %dma_wait3A_649 = arith.constant 0 : i32
      %dma_wait3A_650 = tpu.memref_slice %arg6[%dma_wait3A_646, %dma_wait3A_648, %dma_wait3A_649] : memref<5x128x128xf32, #tpu.memory_space<vmem>> -> memref<1x128x128xf32, #tpu.memory_space<vmem>>
      %dma_wait3A_651 = tpu.memref_squeeze %dma_wait3A_650 : memref<1x128x128xf32, #tpu.memory_space<vmem>> -> memref<128x128xf32, #tpu.memory_space<vmem>>
      %dma_wait3A_652 = arith.constant 0 : i32
      %dma_wait3A_653 = tpu.memref_slice %arg5[%dma_wait3A_645, %dma_wait3A_652] : memref<50x128xi32, #tpu.memory_space<vmem>> -> memref<1x128xi32, #tpu.memory_space<vmem>>
      %dma_wait3A_654 = tpu.memref_squeeze %dma_wait3A_653 : memref<1x128xi32, #tpu.memory_space<vmem>> -> memref<128xi32, #tpu.memory_space<vmem>>
      %dma_wait3A_655 = arith.constant 0 : i32
      %dma_wait3A_656 = arith.constant 0 : i32
      %dma_wait3A_657 = tpu.memref_slice %arg2[%dma_wait3A_655, %dma_wait3A_656] : memref<100001x128xf32, #tpu.memory_space<hbm>> -> memref<100001x128xf32, #tpu.memory_space<hbm>>
      %dma_wait3A_658 = tpu.memref_slice %arg7[%dma_wait3A_647] : memref<5x!tpu.dma_semaphore, #tpu.memory_space<semaphore_mem>> -> memref<1x!tpu.dma_semaphore, #tpu.memory_space<semaphore_mem>>
      %dma_wait3A_659 = tpu.memref_squeeze %dma_wait3A_658 : memref<1x!tpu.dma_semaphore, #tpu.memory_space<semaphore_mem>> -> memref<!tpu.dma_semaphore, #tpu.memory_space<semaphore_mem>>
      tpu.wait_indirect_dma semaphore(%dma_wait3A_659 : memref<!tpu.dma_semaphore, #tpu.memory_space<semaphore_mem>>) src(%dma_wait3A_657 : memref<100001x128xf32, #tpu.memory_space<hbm>>) dst(%dma_wait3A_651 : memref<128x128xf32, #tpu.memory_space<vmem>>)
      %dma_start3A_660 = arith.constant 4 : i32
      %dma_start3A_661 = arith.constant 4 : i32
      %dma_start3A_662 = arith.constant 0 : i32
      %dma_start3A_663 = arith.constant 0 : i32
      %dma_start3A_664 = tpu.memref_slice %arg6[%dma_start3A_660, %dma_start3A_662, %dma_start3A_663] : memref<5x128x128xf32, #tpu.memory_space<vmem>> -> memref<1x128x128xf32, #tpu.memory_space<vmem>>
      %dma_start3A_665 = tpu.memref_squeeze %dma_start3A_664 : memref<1x128x128xf32, #tpu.memory_space<vmem>> -> memref<128x128xf32, #tpu.memory_space<vmem>>
      %dma_start3A_666 = arith.constant 0 : i32
      %dma_start3A_667 = arith.constant 0 : i32
      %dma_start3A_668 = tpu.memref_slice %arg4[%add3A_601, %dma_start3A_666, %dma_start3A_667] : memref<50x4096x128xf32, #tpu.memory_space<hbm>> -> memref<1x4096x128xf32, #tpu.memory_space<hbm>>
      %dma_start3A_669 = tpu.memref_squeeze %dma_start3A_668 : memref<1x4096x128xf32, #tpu.memory_space<hbm>> -> memref<4096x128xf32, #tpu.memory_space<hbm>>
      %dma_start3A_670 = arith.constant 0 : i32
      %dma_start3A_671 = tpu.memref_slice %dma_start3A_669[%mul3A_2, %dma_start3A_670] : memref<4096x128xf32, #tpu.memory_space<hbm>> -> memref<128x128xf32, #tpu.memory_space<hbm>>
      %dma_start3A_672 = tpu.memref_slice %arg8[%dma_start3A_661] : memref<5x!tpu.dma_semaphore, #tpu.memory_space<semaphore_mem>> -> memref<1x!tpu.dma_semaphore, #tpu.memory_space<semaphore_mem>>
      %dma_start3A_673 = tpu.memref_squeeze %dma_start3A_672 : memref<1x!tpu.dma_semaphore, #tpu.memory_space<semaphore_mem>> -> memref<!tpu.dma_semaphore, #tpu.memory_space<semaphore_mem>>
      %dma_start3A_674 = arith.constant 0 : i32
      %dma_start3A_675 = arith.constant 0 : i32
      %dma_start3A_676 = tpu.memref_slice %arg4[%add3A_601, %dma_start3A_674, %dma_start3A_675] : memref<50x4096x128xf32, #tpu.memory_space<hbm>> -> memref<1x4096x128xf32, #tpu.memory_space<hbm>>
      %dma_start3A_677 = tpu.memref_squeeze %dma_start3A_676 : memref<1x4096x128xf32, #tpu.memory_space<hbm>> -> memref<4096x128xf32, #tpu.memory_space<hbm>>
      %dma_start3A_678 = arith.constant 0 : i32
      %dma_start3A_679 = tpu.memref_slice %dma_start3A_677[%mul3A_2, %dma_start3A_678] : memref<4096x128xf32, #tpu.memory_space<hbm>> -> memref<128x128xf32, #tpu.memory_space<hbm>>
      %dma_start3A_680 = arith.constant 0 : i32
      %dma_start3A_681 = arith.constant 0 : i32
      %dma_start3A_682 = tpu.memref_slice %arg6[%dma_start3A_660, %dma_start3A_680, %dma_start3A_681] : memref<5x128x128xf32, #tpu.memory_space<vmem>> -> memref<1x128x128xf32, #tpu.memory_space<vmem>>
      %dma_start3A_683 = tpu.memref_squeeze %dma_start3A_682 : memref<1x128x128xf32, #tpu.memory_space<vmem>> -> memref<128x128xf32, #tpu.memory_space<vmem>>
      tpu.enqueue_dma source(%dma_start3A_683 : memref<128x128xf32, #tpu.memory_space<vmem>>) target(%dma_start3A_679 : memref<128x128xf32, #tpu.memory_space<hbm>>) target_semaphore(%dma_start3A_673 : memref<!tpu.dma_semaphore, #tpu.memory_space<semaphore_mem>>)
      %mul3A_684 = arith.constant 5 : i32
      %mul3A_685 = arith.muli %add3A_419, %mul3A_684 : i32
      %add3A_686 = arith.constant 3 : i32
      %add3A_687 = arith.addi %mul3A_685, %add3A_686 : i32
      %add3A_688 = arith.constant 2 : i32
      %add3A_689 = arith.addi %add3A_687, %add3A_688 : i32
      %dma_wait3A_690 = arith.constant 3 : i32
      %dma_wait3A_691 = arith.constant 0 : i32
      %dma_wait3A_692 = arith.constant 3 : i32
      %dma_wait3A_693 = arith.constant 0 : i32
      %dma_wait3A_694 = arith.constant 0 : i32
      %dma_wait3A_695 = tpu.memref_slice %arg6[%dma_wait3A_690, %dma_wait3A_693, %dma_wait3A_694] : memref<5x128x128xf32, #tpu.memory_space<vmem>> -> memref<1x128x128xf32, #tpu.memory_space<vmem>>
      %dma_wait3A_696 = tpu.memref_squeeze %dma_wait3A_695 : memref<1x128x128xf32, #tpu.memory_space<vmem>> -> memref<128x128xf32, #tpu.memory_space<vmem>>
      %dma_wait3A_697 = arith.constant 0 : i32
      %dma_wait3A_698 = arith.constant 0 : i32
      %dma_wait3A_699 = tpu.memref_slice %arg4[%dma_wait3A_691, %dma_wait3A_697, %dma_wait3A_698] : memref<50x4096x128xf32, #tpu.memory_space<hbm>> -> memref<1x4096x128xf32, #tpu.memory_space<hbm>>
      %dma_wait3A_700 = tpu.memref_squeeze %dma_wait3A_699 : memref<1x4096x128xf32, #tpu.memory_space<hbm>> -> memref<4096x128xf32, #tpu.memory_space<hbm>>
      %dma_wait3A_701 = arith.constant 0 : i32
      %dma_wait3A_702 = arith.constant 0 : i32
      %dma_wait3A_703 = tpu.memref_slice %dma_wait3A_700[%dma_wait3A_701, %dma_wait3A_702] : memref<4096x128xf32, #tpu.memory_space<hbm>> -> memref<128x128xf32, #tpu.memory_space<hbm>>
      %dma_wait3A_704 = tpu.memref_slice %arg8[%dma_wait3A_692] : memref<5x!tpu.dma_semaphore, #tpu.memory_space<semaphore_mem>> -> memref<1x!tpu.dma_semaphore, #tpu.memory_space<semaphore_mem>>
      %dma_wait3A_705 = tpu.memref_squeeze %dma_wait3A_704 : memref<1x!tpu.dma_semaphore, #tpu.memory_space<semaphore_mem>> -> memref<!tpu.dma_semaphore, #tpu.memory_space<semaphore_mem>>
      %dma_wait3A_706 = arith.constant 0 : i32
      %dma_wait3A_707 = arith.constant 0 : i32
      %dma_wait3A_708 = tpu.memref_slice %arg4[%dma_wait3A_691, %dma_wait3A_706, %dma_wait3A_707] : memref<50x4096x128xf32, #tpu.memory_space<hbm>> -> memref<1x4096x128xf32, #tpu.memory_space<hbm>>
      %dma_wait3A_709 = tpu.memref_squeeze %dma_wait3A_708 : memref<1x4096x128xf32, #tpu.memory_space<hbm>> -> memref<4096x128xf32, #tpu.memory_space<hbm>>
      %dma_wait3A_710 = arith.constant 0 : i32
      %dma_wait3A_711 = arith.constant 0 : i32
      %dma_wait3A_712 = tpu.memref_slice %dma_wait3A_709[%dma_wait3A_710, %dma_wait3A_711] : memref<4096x128xf32, #tpu.memory_space<hbm>> -> memref<128x128xf32, #tpu.memory_space<hbm>>
      %dma_wait3A_713 = arith.constant 0 : i32
      %dma_wait3A_714 = arith.constant 0 : i32
      %dma_wait3A_715 = tpu.memref_slice %arg6[%dma_wait3A_690, %dma_wait3A_713, %dma_wait3A_714] : memref<5x128x128xf32, #tpu.memory_space<vmem>> -> memref<1x128x128xf32, #tpu.memory_space<vmem>>
      %dma_wait3A_716 = tpu.memref_squeeze %dma_wait3A_715 : memref<1x128x128xf32, #tpu.memory_space<vmem>> -> memref<128x128xf32, #tpu.memory_space<vmem>>
      tpu.wait_dma2 semaphore(%dma_wait3A_705 : memref<!tpu.dma_semaphore, #tpu.memory_space<semaphore_mem>>) src(%dma_wait3A_716 : memref<128x128xf32, #tpu.memory_space<vmem>>) dst(%dma_wait3A_712 : memref<128x128xf32, #tpu.memory_space<hbm>>)
      %add3A_717 = arith.constant 3 : i32
      %add3A_718 = arith.addi %add3A_689, %add3A_717 : i32
      %dma_start3A_719 = arith.constant 3 : i32
      %dma_start3A_720 = arith.constant 3 : i32
      %dma_start3A_721 = arith.constant 0 : i32
      %dma_start3A_722 = arith.constant 0 : i32
      %dma_start3A_723 = tpu.memref_slice %arg6[%dma_start3A_719, %dma_start3A_721, %dma_start3A_722] : memref<5x128x128xf32, #tpu.memory_space<vmem>> -> memref<1x128x128xf32, #tpu.memory_space<vmem>>
      %dma_start3A_724 = tpu.memref_squeeze %dma_start3A_723 : memref<1x128x128xf32, #tpu.memory_space<vmem>> -> memref<128x128xf32, #tpu.memory_space<vmem>>
      %dma_start3A_725 = arith.constant 0 : i32
      %dma_start3A_726 = tpu.memref_slice %arg5[%add3A_718, %dma_start3A_725] : memref<50x128xi32, #tpu.memory_space<vmem>> -> memref<1x128xi32, #tpu.memory_space<vmem>>
      %dma_start3A_727 = tpu.memref_squeeze %dma_start3A_726 : memref<1x128xi32, #tpu.memory_space<vmem>> -> memref<128xi32, #tpu.memory_space<vmem>>
      %dma_start3A_728 = arith.constant 0 : i32
      %dma_start3A_729 = arith.constant 0 : i32
      %dma_start3A_730 = tpu.memref_slice %arg2[%dma_start3A_728, %dma_start3A_729] : memref<100001x128xf32, #tpu.memory_space<hbm>> -> memref<100001x128xf32, #tpu.memory_space<hbm>>
      %dma_start3A_731 = tpu.memref_slice %arg7[%dma_start3A_720] : memref<5x!tpu.dma_semaphore, #tpu.memory_space<semaphore_mem>> -> memref<1x!tpu.dma_semaphore, #tpu.memory_space<semaphore_mem>>
      %dma_start3A_732 = tpu.memref_squeeze %dma_start3A_731 : memref<1x!tpu.dma_semaphore, #tpu.memory_space<semaphore_mem>> -> memref<!tpu.dma_semaphore, #tpu.memory_space<semaphore_mem>>
      tpu.enqueue_indirect_dma source(%dma_start3A_730 : memref<100001x128xf32, #tpu.memory_space<hbm>>) target(%dma_start3A_724 : memref<128x128xf32, #tpu.memory_space<vmem>>) offsets(%dma_start3A_727 : memref<128xi32, #tpu.memory_space<vmem>>) semaphore(%dma_start3A_732 : memref<!tpu.dma_semaphore, #tpu.memory_space<semaphore_mem>>)
      %dma_wait3A_733 = arith.constant 0 : i32
      %dma_wait3A_734 = arith.constant 0 : i32
      %dma_wait3A_735 = arith.constant 0 : i32
      %dma_wait3A_736 = arith.constant 0 : i32
      %dma_wait3A_737 = arith.constant 0 : i32
      %dma_wait3A_738 = tpu.memref_slice %arg6[%dma_wait3A_734, %dma_wait3A_736, %dma_wait3A_737] : memref<5x128x128xf32, #tpu.memory_space<vmem>> -> memref<1x128x128xf32, #tpu.memory_space<vmem>>
      %dma_wait3A_739 = tpu.memref_squeeze %dma_wait3A_738 : memref<1x128x128xf32, #tpu.memory_space<vmem>> -> memref<128x128xf32, #tpu.memory_space<vmem>>
      %dma_wait3A_740 = arith.constant 0 : i32
      %dma_wait3A_741 = tpu.memref_slice %arg5[%dma_wait3A_733, %dma_wait3A_740] : memref<50x128xi32, #tpu.memory_space<vmem>> -> memref<1x128xi32, #tpu.memory_space<vmem>>
      %dma_wait3A_742 = tpu.memref_squeeze %dma_wait3A_741 : memref<1x128xi32, #tpu.memory_space<vmem>> -> memref<128xi32, #tpu.memory_space<vmem>>
      %dma_wait3A_743 = arith.constant 0 : i32
      %dma_wait3A_744 = arith.constant 0 : i32
      %dma_wait3A_745 = tpu.memref_slice %arg2[%dma_wait3A_743, %dma_wait3A_744] : memref<100001x128xf32, #tpu.memory_space<hbm>> -> memref<100001x128xf32, #tpu.memory_space<hbm>>
      %dma_wait3A_746 = tpu.memref_slice %arg7[%dma_wait3A_735] : memref<5x!tpu.dma_semaphore, #tpu.memory_space<semaphore_mem>> -> memref<1x!tpu.dma_semaphore, #tpu.memory_space<semaphore_mem>>
      %dma_wait3A_747 = tpu.memref_squeeze %dma_wait3A_746 : memref<1x!tpu.dma_semaphore, #tpu.memory_space<semaphore_mem>> -> memref<!tpu.dma_semaphore, #tpu.memory_space<semaphore_mem>>
      tpu.wait_indirect_dma semaphore(%dma_wait3A_747 : memref<!tpu.dma_semaphore, #tpu.memory_space<semaphore_mem>>) src(%dma_wait3A_745 : memref<100001x128xf32, #tpu.memory_space<hbm>>) dst(%dma_wait3A_739 : memref<128x128xf32, #tpu.memory_space<vmem>>)
      %dma_start3A_748 = arith.constant 0 : i32
      %dma_start3A_749 = arith.constant 0 : i32
      %dma_start3A_750 = arith.constant 0 : i32
      %dma_start3A_751 = arith.constant 0 : i32
      %dma_start3A_752 = tpu.memref_slice %arg6[%dma_start3A_748, %dma_start3A_750, %dma_start3A_751] : memref<5x128x128xf32, #tpu.memory_space<vmem>> -> memref<1x128x128xf32, #tpu.memory_space<vmem>>
      %dma_start3A_753 = tpu.memref_squeeze %dma_start3A_752 : memref<1x128x128xf32, #tpu.memory_space<vmem>> -> memref<128x128xf32, #tpu.memory_space<vmem>>
      %dma_start3A_754 = arith.constant 0 : i32
      %dma_start3A_755 = arith.constant 0 : i32
      %dma_start3A_756 = tpu.memref_slice %arg4[%add3A_689, %dma_start3A_754, %dma_start3A_755] : memref<50x4096x128xf32, #tpu.memory_space<hbm>> -> memref<1x4096x128xf32, #tpu.memory_space<hbm>>
      %dma_start3A_757 = tpu.memref_squeeze %dma_start3A_756 : memref<1x4096x128xf32, #tpu.memory_space<hbm>> -> memref<4096x128xf32, #tpu.memory_space<hbm>>
      %dma_start3A_758 = arith.constant 0 : i32
      %dma_start3A_759 = tpu.memref_slice %dma_start3A_757[%mul3A_2, %dma_start3A_758] : memref<4096x128xf32, #tpu.memory_space<hbm>> -> memref<128x128xf32, #tpu.memory_space<hbm>>
      %dma_start3A_760 = tpu.memref_slice %arg8[%dma_start3A_749] : memref<5x!tpu.dma_semaphore, #tpu.memory_space<semaphore_mem>> -> memref<1x!tpu.dma_semaphore, #tpu.memory_space<semaphore_mem>>
      %dma_start3A_761 = tpu.memref_squeeze %dma_start3A_760 : memref<1x!tpu.dma_semaphore, #tpu.memory_space<semaphore_mem>> -> memref<!tpu.dma_semaphore, #tpu.memory_space<semaphore_mem>>
      %dma_start3A_762 = arith.constant 0 : i32
      %dma_start3A_763 = arith.constant 0 : i32
      %dma_start3A_764 = tpu.memref_slice %arg4[%add3A_689, %dma_start3A_762, %dma_start3A_763] : memref<50x4096x128xf32, #tpu.memory_space<hbm>> -> memref<1x4096x128xf32, #tpu.memory_space<hbm>>
      %dma_start3A_765 = tpu.memref_squeeze %dma_start3A_764 : memref<1x4096x128xf32, #tpu.memory_space<hbm>> -> memref<4096x128xf32, #tpu.memory_space<hbm>>
      %dma_start3A_766 = arith.constant 0 : i32
      %dma_start3A_767 = tpu.memref_slice %dma_start3A_765[%mul3A_2, %dma_start3A_766] : memref<4096x128xf32, #tpu.memory_space<hbm>> -> memref<128x128xf32, #tpu.memory_space<hbm>>
      %dma_start3A_768 = arith.constant 0 : i32
      %dma_start3A_769 = arith.constant 0 : i32
      %dma_start3A_770 = tpu.memref_slice %arg6[%dma_start3A_748, %dma_start3A_768, %dma_start3A_769] : memref<5x128x128xf32, #tpu.memory_space<vmem>> -> memref<1x128x128xf32, #tpu.memory_space<vmem>>
      %dma_start3A_771 = tpu.memref_squeeze %dma_start3A_770 : memref<1x128x128xf32, #tpu.memory_space<vmem>> -> memref<128x128xf32, #tpu.memory_space<vmem>>
      tpu.enqueue_dma source(%dma_start3A_771 : memref<128x128xf32, #tpu.memory_space<vmem>>) target(%dma_start3A_767 : memref<128x128xf32, #tpu.memory_space<hbm>>) target_semaphore(%dma_start3A_761 : memref<!tpu.dma_semaphore, #tpu.memory_space<semaphore_mem>>)
      %mul3A_772 = arith.constant 5 : i32
      %mul3A_773 = arith.muli %add3A_419, %mul3A_772 : i32
      %add3A_774 = arith.constant 4 : i32
      %add3A_775 = arith.addi %mul3A_773, %add3A_774 : i32
      %add3A_776 = arith.constant 2 : i32
      %add3A_777 = arith.addi %add3A_775, %add3A_776 : i32
      %dma_wait3A_778 = arith.constant 4 : i32
      %dma_wait3A_779 = arith.constant 0 : i32
      %dma_wait3A_780 = arith.constant 4 : i32
      %dma_wait3A_781 = arith.constant 0 : i32
      %dma_wait3A_782 = arith.constant 0 : i32
      %dma_wait3A_783 = tpu.memref_slice %arg6[%dma_wait3A_778, %dma_wait3A_781, %dma_wait3A_782] : memref<5x128x128xf32, #tpu.memory_space<vmem>> -> memref<1x128x128xf32, #tpu.memory_space<vmem>>
      %dma_wait3A_784 = tpu.memref_squeeze %dma_wait3A_783 : memref<1x128x128xf32, #tpu.memory_space<vmem>> -> memref<128x128xf32, #tpu.memory_space<vmem>>
      %dma_wait3A_785 = arith.constant 0 : i32
      %dma_wait3A_786 = arith.constant 0 : i32
      %dma_wait3A_787 = tpu.memref_slice %arg4[%dma_wait3A_779, %dma_wait3A_785, %dma_wait3A_786] : memref<50x4096x128xf32, #tpu.memory_space<hbm>> -> memref<1x4096x128xf32, #tpu.memory_space<hbm>>
      %dma_wait3A_788 = tpu.memref_squeeze %dma_wait3A_787 : memref<1x4096x128xf32, #tpu.memory_space<hbm>> -> memref<4096x128xf32, #tpu.memory_space<hbm>>
      %dma_wait3A_789 = arith.constant 0 : i32
      %dma_wait3A_790 = arith.constant 0 : i32
      %dma_wait3A_791 = tpu.memref_slice %dma_wait3A_788[%dma_wait3A_789, %dma_wait3A_790] : memref<4096x128xf32, #tpu.memory_space<hbm>> -> memref<128x128xf32, #tpu.memory_space<hbm>>
      %dma_wait3A_792 = tpu.memref_slice %arg8[%dma_wait3A_780] : memref<5x!tpu.dma_semaphore, #tpu.memory_space<semaphore_mem>> -> memref<1x!tpu.dma_semaphore, #tpu.memory_space<semaphore_mem>>
      %dma_wait3A_793 = tpu.memref_squeeze %dma_wait3A_792 : memref<1x!tpu.dma_semaphore, #tpu.memory_space<semaphore_mem>> -> memref<!tpu.dma_semaphore, #tpu.memory_space<semaphore_mem>>
      %dma_wait3A_794 = arith.constant 0 : i32
      %dma_wait3A_795 = arith.constant 0 : i32
      %dma_wait3A_796 = tpu.memref_slice %arg4[%dma_wait3A_779, %dma_wait3A_794, %dma_wait3A_795] : memref<50x4096x128xf32, #tpu.memory_space<hbm>> -> memref<1x4096x128xf32, #tpu.memory_space<hbm>>
      %dma_wait3A_797 = tpu.memref_squeeze %dma_wait3A_796 : memref<1x4096x128xf32, #tpu.memory_space<hbm>> -> memref<4096x128xf32, #tpu.memory_space<hbm>>
      %dma_wait3A_798 = arith.constant 0 : i32
      %dma_wait3A_799 = arith.constant 0 : i32
      %dma_wait3A_800 = tpu.memref_slice %dma_wait3A_797[%dma_wait3A_798, %dma_wait3A_799] : memref<4096x128xf32, #tpu.memory_space<hbm>> -> memref<128x128xf32, #tpu.memory_space<hbm>>
      %dma_wait3A_801 = arith.constant 0 : i32
      %dma_wait3A_802 = arith.constant 0 : i32
      %dma_wait3A_803 = tpu.memref_slice %arg6[%dma_wait3A_778, %dma_wait3A_801, %dma_wait3A_802] : memref<5x128x128xf32, #tpu.memory_space<vmem>> -> memref<1x128x128xf32, #tpu.memory_space<vmem>>
      %dma_wait3A_804 = tpu.memref_squeeze %dma_wait3A_803 : memref<1x128x128xf32, #tpu.memory_space<vmem>> -> memref<128x128xf32, #tpu.memory_space<vmem>>
      tpu.wait_dma2 semaphore(%dma_wait3A_793 : memref<!tpu.dma_semaphore, #tpu.memory_space<semaphore_mem>>) src(%dma_wait3A_804 : memref<128x128xf32, #tpu.memory_space<vmem>>) dst(%dma_wait3A_800 : memref<128x128xf32, #tpu.memory_space<hbm>>)
      %add3A_805 = arith.constant 3 : i32
      %add3A_806 = arith.addi %add3A_777, %add3A_805 : i32
      %dma_start3A_807 = arith.constant 4 : i32
      %dma_start3A_808 = arith.constant 4 : i32
      %dma_start3A_809 = arith.constant 0 : i32
      %dma_start3A_810 = arith.constant 0 : i32
      %dma_start3A_811 = tpu.memref_slice %arg6[%dma_start3A_807, %dma_start3A_809, %dma_start3A_810] : memref<5x128x128xf32, #tpu.memory_space<vmem>> -> memref<1x128x128xf32, #tpu.memory_space<vmem>>
      %dma_start3A_812 = tpu.memref_squeeze %dma_start3A_811 : memref<1x128x128xf32, #tpu.memory_space<vmem>> -> memref<128x128xf32, #tpu.memory_space<vmem>>
      %dma_start3A_813 = arith.constant 0 : i32
      %dma_start3A_814 = tpu.memref_slice %arg5[%add3A_806, %dma_start3A_813] : memref<50x128xi32, #tpu.memory_space<vmem>> -> memref<1x128xi32, #tpu.memory_space<vmem>>
      %dma_start3A_815 = tpu.memref_squeeze %dma_start3A_814 : memref<1x128xi32, #tpu.memory_space<vmem>> -> memref<128xi32, #tpu.memory_space<vmem>>
      %dma_start3A_816 = arith.constant 0 : i32
      %dma_start3A_817 = arith.constant 0 : i32
      %dma_start3A_818 = tpu.memref_slice %arg2[%dma_start3A_816, %dma_start3A_817] : memref<100001x128xf32, #tpu.memory_space<hbm>> -> memref<100001x128xf32, #tpu.memory_space<hbm>>
      %dma_start3A_819 = tpu.memref_slice %arg7[%dma_start3A_808] : memref<5x!tpu.dma_semaphore, #tpu.memory_space<semaphore_mem>> -> memref<1x!tpu.dma_semaphore, #tpu.memory_space<semaphore_mem>>
      %dma_start3A_820 = tpu.memref_squeeze %dma_start3A_819 : memref<1x!tpu.dma_semaphore, #tpu.memory_space<semaphore_mem>> -> memref<!tpu.dma_semaphore, #tpu.memory_space<semaphore_mem>>
      tpu.enqueue_indirect_dma source(%dma_start3A_818 : memref<100001x128xf32, #tpu.memory_space<hbm>>) target(%dma_start3A_812 : memref<128x128xf32, #tpu.memory_space<vmem>>) offsets(%dma_start3A_815 : memref<128xi32, #tpu.memory_space<vmem>>) semaphore(%dma_start3A_820 : memref<!tpu.dma_semaphore, #tpu.memory_space<semaphore_mem>>)
      %dma_wait3A_821 = arith.constant 0 : i32
      %dma_wait3A_822 = arith.constant 1 : i32
      %dma_wait3A_823 = arith.constant 1 : i32
      %dma_wait3A_824 = arith.constant 0 : i32
      %dma_wait3A_825 = arith.constant 0 : i32
      %dma_wait3A_826 = tpu.memref_slice %arg6[%dma_wait3A_822, %dma_wait3A_824, %dma_wait3A_825] : memref<5x128x128xf32, #tpu.memory_space<vmem>> -> memref<1x128x128xf32, #tpu.memory_space<vmem>>
      %dma_wait3A_827 = tpu.memref_squeeze %dma_wait3A_826 : memref<1x128x128xf32, #tpu.memory_space<vmem>> -> memref<128x128xf32, #tpu.memory_space<vmem>>
      %dma_wait3A_828 = arith.constant 0 : i32
      %dma_wait3A_829 = tpu.memref_slice %arg5[%dma_wait3A_821, %dma_wait3A_828] : memref<50x128xi32, #tpu.memory_space<vmem>> -> memref<1x128xi32, #tpu.memory_space<vmem>>
      %dma_wait3A_830 = tpu.memref_squeeze %dma_wait3A_829 : memref<1x128xi32, #tpu.memory_space<vmem>> -> memref<128xi32, #tpu.memory_space<vmem>>
      %dma_wait3A_831 = arith.constant 0 : i32
      %dma_wait3A_832 = arith.constant 0 : i32
      %dma_wait3A_833 = tpu.memref_slice %arg2[%dma_wait3A_831, %dma_wait3A_832] : memref<100001x128xf32, #tpu.memory_space<hbm>> -> memref<100001x128xf32, #tpu.memory_space<hbm>>
      %dma_wait3A_834 = tpu.memref_slice %arg7[%dma_wait3A_823] : memref<5x!tpu.dma_semaphore, #tpu.memory_space<semaphore_mem>> -> memref<1x!tpu.dma_semaphore, #tpu.memory_space<semaphore_mem>>
      %dma_wait3A_835 = tpu.memref_squeeze %dma_wait3A_834 : memref<1x!tpu.dma_semaphore, #tpu.memory_space<semaphore_mem>> -> memref<!tpu.dma_semaphore, #tpu.memory_space<semaphore_mem>>
      tpu.wait_indirect_dma semaphore(%dma_wait3A_835 : memref<!tpu.dma_semaphore, #tpu.memory_space<semaphore_mem>>) src(%dma_wait3A_833 : memref<100001x128xf32, #tpu.memory_space<hbm>>) dst(%dma_wait3A_827 : memref<128x128xf32, #tpu.memory_space<vmem>>)
      %dma_start3A_836 = arith.constant 1 : i32
      %dma_start3A_837 = arith.constant 1 : i32
      %dma_start3A_838 = arith.constant 0 : i32
      %dma_start3A_839 = arith.constant 0 : i32
      %dma_start3A_840 = tpu.memref_slice %arg6[%dma_start3A_836, %dma_start3A_838, %dma_start3A_839] : memref<5x128x128xf32, #tpu.memory_space<vmem>> -> memref<1x128x128xf32, #tpu.memory_space<vmem>>
      %dma_start3A_841 = tpu.memref_squeeze %dma_start3A_840 : memref<1x128x128xf32, #tpu.memory_space<vmem>> -> memref<128x128xf32, #tpu.memory_space<vmem>>
      %dma_start3A_842 = arith.constant 0 : i32
      %dma_start3A_843 = arith.constant 0 : i32
      %dma_start3A_844 = tpu.memref_slice %arg4[%add3A_777, %dma_start3A_842, %dma_start3A_843] : memref<50x4096x128xf32, #tpu.memory_space<hbm>> -> memref<1x4096x128xf32, #tpu.memory_space<hbm>>
      %dma_start3A_845 = tpu.memref_squeeze %dma_start3A_844 : memref<1x4096x128xf32, #tpu.memory_space<hbm>> -> memref<4096x128xf32, #tpu.memory_space<hbm>>
      %dma_start3A_846 = arith.constant 0 : i32
      %dma_start3A_847 = tpu.memref_slice %dma_start3A_845[%mul3A_2, %dma_start3A_846] : memref<4096x128xf32, #tpu.memory_space<hbm>> -> memref<128x128xf32, #tpu.memory_space<hbm>>
      %dma_start3A_848 = tpu.memref_slice %arg8[%dma_start3A_837] : memref<5x!tpu.dma_semaphore, #tpu.memory_space<semaphore_mem>> -> memref<1x!tpu.dma_semaphore, #tpu.memory_space<semaphore_mem>>
      %dma_start3A_849 = tpu.memref_squeeze %dma_start3A_848 : memref<1x!tpu.dma_semaphore, #tpu.memory_space<semaphore_mem>> -> memref<!tpu.dma_semaphore, #tpu.memory_space<semaphore_mem>>
      %dma_start3A_850 = arith.constant 0 : i32
      %dma_start3A_851 = arith.constant 0 : i32
      %dma_start3A_852 = tpu.memref_slice %arg4[%add3A_777, %dma_start3A_850, %dma_start3A_851] : memref<50x4096x128xf32, #tpu.memory_space<hbm>> -> memref<1x4096x128xf32, #tpu.memory_space<hbm>>
      %dma_start3A_853 = tpu.memref_squeeze %dma_start3A_852 : memref<1x4096x128xf32, #tpu.memory_space<hbm>> -> memref<4096x128xf32, #tpu.memory_space<hbm>>
      %dma_start3A_854 = arith.constant 0 : i32
      %dma_start3A_855 = tpu.memref_slice %dma_start3A_853[%mul3A_2, %dma_start3A_854] : memref<4096x128xf32, #tpu.memory_space<hbm>> -> memref<128x128xf32, #tpu.memory_space<hbm>>
      %dma_start3A_856 = arith.constant 0 : i32
      %dma_start3A_857 = arith.constant 0 : i32
      %dma_start3A_858 = tpu.memref_slice %arg6[%dma_start3A_836, %dma_start3A_856, %dma_start3A_857] : memref<5x128x128xf32, #tpu.memory_space<vmem>> -> memref<1x128x128xf32, #tpu.memory_space<vmem>>
      %dma_start3A_859 = tpu.memref_squeeze %dma_start3A_858 : memref<1x128x128xf32, #tpu.memory_space<vmem>> -> memref<128x128xf32, #tpu.memory_space<vmem>>
      tpu.enqueue_dma source(%dma_start3A_859 : memref<128x128xf32, #tpu.memory_space<vmem>>) target(%dma_start3A_855 : memref<128x128xf32, #tpu.memory_space<hbm>>) target_semaphore(%dma_start3A_849 : memref<!tpu.dma_semaphore, #tpu.memory_space<semaphore_mem>>)
    }
    %scan3A_159 = arith.constant 9 : i32
    %dma_wait3A_160 = arith.constant 0 : i32
    %dma_wait3A_161 = arith.constant 2 : i32
    %dma_wait3A_162 = arith.constant 2 : i32
    %dma_wait3A_163 = arith.constant 0 : i32
    %dma_wait3A_164 = arith.constant 0 : i32
    %dma_wait3A_165 = tpu.memref_slice %arg6[%dma_wait3A_161, %dma_wait3A_163, %dma_wait3A_164] : memref<5x128x128xf32, #tpu.memory_space<vmem>> -> memref<1x128x128xf32, #tpu.memory_space<vmem>>
    %dma_wait3A_166 = tpu.memref_squeeze %dma_wait3A_165 : memref<1x128x128xf32, #tpu.memory_space<vmem>> -> memref<128x128xf32, #tpu.memory_space<vmem>>
    %dma_wait3A_167 = arith.constant 0 : i32
    %dma_wait3A_168 = tpu.memref_slice %arg5[%dma_wait3A_160, %dma_wait3A_167] : memref<50x128xi32, #tpu.memory_space<vmem>> -> memref<1x128xi32, #tpu.memory_space<vmem>>
    %dma_wait3A_169 = tpu.memref_squeeze %dma_wait3A_168 : memref<1x128xi32, #tpu.memory_space<vmem>> -> memref<128xi32, #tpu.memory_space<vmem>>
    %dma_wait3A_170 = arith.constant 0 : i32
    %dma_wait3A_171 = arith.constant 0 : i32
    %dma_wait3A_172 = tpu.memref_slice %arg2[%dma_wait3A_170, %dma_wait3A_171] : memref<100001x128xf32, #tpu.memory_space<hbm>> -> memref<100001x128xf32, #tpu.memory_space<hbm>>
    %dma_wait3A_173 = tpu.memref_slice %arg7[%dma_wait3A_162] : memref<5x!tpu.dma_semaphore, #tpu.memory_space<semaphore_mem>> -> memref<1x!tpu.dma_semaphore, #tpu.memory_space<semaphore_mem>>
    %dma_wait3A_174 = tpu.memref_squeeze %dma_wait3A_173 : memref<1x!tpu.dma_semaphore, #tpu.memory_space<semaphore_mem>> -> memref<!tpu.dma_semaphore, #tpu.memory_space<semaphore_mem>>
    tpu.wait_indirect_dma semaphore(%dma_wait3A_174 : memref<!tpu.dma_semaphore, #tpu.memory_space<semaphore_mem>>) src(%dma_wait3A_172 : memref<100001x128xf32, #tpu.memory_space<hbm>>) dst(%dma_wait3A_166 : memref<128x128xf32, #tpu.memory_space<vmem>>)
    %dma_start3A_175 = arith.constant 2 : i32
    %dma_start3A_176 = arith.constant 47 : i32
    %dma_start3A_177 = arith.constant 2 : i32
    %dma_start3A_178 = arith.constant 0 : i32
    %dma_start3A_179 = arith.constant 0 : i32
    %dma_start3A_180 = tpu.memref_slice %arg6[%dma_start3A_175, %dma_start3A_178, %dma_start3A_179] : memref<5x128x128xf32, #tpu.memory_space<vmem>> -> memref<1x128x128xf32, #tpu.memory_space<vmem>>
    %dma_start3A_181 = tpu.memref_squeeze %dma_start3A_180 : memref<1x128x128xf32, #tpu.memory_space<vmem>> -> memref<128x128xf32, #tpu.memory_space<vmem>>
    %dma_start3A_182 = arith.constant 0 : i32
    %dma_start3A_183 = arith.constant 0 : i32
    %dma_start3A_184 = tpu.memref_slice %arg4[%dma_start3A_176, %dma_start3A_182, %dma_start3A_183] : memref<50x4096x128xf32, #tpu.memory_space<hbm>> -> memref<1x4096x128xf32, #tpu.memory_space<hbm>>
    %dma_start3A_185 = tpu.memref_squeeze %dma_start3A_184 : memref<1x4096x128xf32, #tpu.memory_space<hbm>> -> memref<4096x128xf32, #tpu.memory_space<hbm>>
    %dma_start3A_186 = arith.constant 0 : i32
    %dma_start3A_187 = tpu.memref_slice %dma_start3A_185[%mul3A_2, %dma_start3A_186] : memref<4096x128xf32, #tpu.memory_space<hbm>> -> memref<128x128xf32, #tpu.memory_space<hbm>>
    %dma_start3A_188 = tpu.memref_slice %arg8[%dma_start3A_177] : memref<5x!tpu.dma_semaphore, #tpu.memory_space<semaphore_mem>> -> memref<1x!tpu.dma_semaphore, #tpu.memory_space<semaphore_mem>>
    %dma_start3A_189 = tpu.memref_squeeze %dma_start3A_188 : memref<1x!tpu.dma_semaphore, #tpu.memory_space<semaphore_mem>> -> memref<!tpu.dma_semaphore, #tpu.memory_space<semaphore_mem>>
    %dma_start3A_190 = arith.constant 0 : i32
    %dma_start3A_191 = arith.constant 0 : i32
    %dma_start3A_192 = tpu.memref_slice %arg4[%dma_start3A_176, %dma_start3A_190, %dma_start3A_191] : memref<50x4096x128xf32, #tpu.memory_space<hbm>> -> memref<1x4096x128xf32, #tpu.memory_space<hbm>>
    %dma_start3A_193 = tpu.memref_squeeze %dma_start3A_192 : memref<1x4096x128xf32, #tpu.memory_space<hbm>> -> memref<4096x128xf32, #tpu.memory_space<hbm>>
    %dma_start3A_194 = arith.constant 0 : i32
    %dma_start3A_195 = tpu.memref_slice %dma_start3A_193[%mul3A_2, %dma_start3A_194] : memref<4096x128xf32, #tpu.memory_space<hbm>> -> memref<128x128xf32, #tpu.memory_space<hbm>>
    %dma_start3A_196 = arith.constant 0 : i32
    %dma_start3A_197 = arith.constant 0 : i32
    %dma_start3A_198 = tpu.memref_slice %arg6[%dma_start3A_175, %dma_start3A_196, %dma_start3A_197] : memref<5x128x128xf32, #tpu.memory_space<vmem>> -> memref<1x128x128xf32, #tpu.memory_space<vmem>>
    %dma_start3A_199 = tpu.memref_squeeze %dma_start3A_198 : memref<1x128x128xf32, #tpu.memory_space<vmem>> -> memref<128x128xf32, #tpu.memory_space<vmem>>
    tpu.enqueue_dma source(%dma_start3A_199 : memref<128x128xf32, #tpu.memory_space<vmem>>) target(%dma_start3A_195 : memref<128x128xf32, #tpu.memory_space<hbm>>) target_semaphore(%dma_start3A_189 : memref<!tpu.dma_semaphore, #tpu.memory_space<semaphore_mem>>)
    %dma_wait3A_200 = arith.constant 0 : i32
    %dma_wait3A_201 = arith.constant 3 : i32
    %dma_wait3A_202 = arith.constant 3 : i32
    %dma_wait3A_203 = arith.constant 0 : i32
    %dma_wait3A_204 = arith.constant 0 : i32
    %dma_wait3A_205 = tpu.memref_slice %arg6[%dma_wait3A_201, %dma_wait3A_203, %dma_wait3A_204] : memref<5x128x128xf32, #tpu.memory_space<vmem>> -> memref<1x128x128xf32, #tpu.memory_space<vmem>>
    %dma_wait3A_206 = tpu.memref_squeeze %dma_wait3A_205 : memref<1x128x128xf32, #tpu.memory_space<vmem>> -> memref<128x128xf32, #tpu.memory_space<vmem>>
    %dma_wait3A_207 = arith.constant 0 : i32
    %dma_wait3A_208 = tpu.memref_slice %arg5[%dma_wait3A_200, %dma_wait3A_207] : memref<50x128xi32, #tpu.memory_space<vmem>> -> memref<1x128xi32, #tpu.memory_space<vmem>>
    %dma_wait3A_209 = tpu.memref_squeeze %dma_wait3A_208 : memref<1x128xi32, #tpu.memory_space<vmem>> -> memref<128xi32, #tpu.memory_space<vmem>>
    %dma_wait3A_210 = arith.constant 0 : i32
    %dma_wait3A_211 = arith.constant 0 : i32
    %dma_wait3A_212 = tpu.memref_slice %arg2[%dma_wait3A_210, %dma_wait3A_211] : memref<100001x128xf32, #tpu.memory_space<hbm>> -> memref<100001x128xf32, #tpu.memory_space<hbm>>
    %dma_wait3A_213 = tpu.memref_slice %arg7[%dma_wait3A_202] : memref<5x!tpu.dma_semaphore, #tpu.memory_space<semaphore_mem>> -> memref<1x!tpu.dma_semaphore, #tpu.memory_space<semaphore_mem>>
    %dma_wait3A_214 = tpu.memref_squeeze %dma_wait3A_213 : memref<1x!tpu.dma_semaphore, #tpu.memory_space<semaphore_mem>> -> memref<!tpu.dma_semaphore, #tpu.memory_space<semaphore_mem>>
    tpu.wait_indirect_dma semaphore(%dma_wait3A_214 : memref<!tpu.dma_semaphore, #tpu.memory_space<semaphore_mem>>) src(%dma_wait3A_212 : memref<100001x128xf32, #tpu.memory_space<hbm>>) dst(%dma_wait3A_206 : memref<128x128xf32, #tpu.memory_space<vmem>>)
    %dma_start3A_215 = arith.constant 3 : i32
    %dma_start3A_216 = arith.constant 48 : i32
    %dma_start3A_217 = arith.constant 3 : i32
    %dma_start3A_218 = arith.constant 0 : i32
    %dma_start3A_219 = arith.constant 0 : i32
    %dma_start3A_220 = tpu.memref_slice %arg6[%dma_start3A_215, %dma_start3A_218, %dma_start3A_219] : memref<5x128x128xf32, #tpu.memory_space<vmem>> -> memref<1x128x128xf32, #tpu.memory_space<vmem>>
    %dma_start3A_221 = tpu.memref_squeeze %dma_start3A_220 : memref<1x128x128xf32, #tpu.memory_space<vmem>> -> memref<128x128xf32, #tpu.memory_space<vmem>>
    %dma_start3A_222 = arith.constant 0 : i32
    %dma_start3A_223 = arith.constant 0 : i32
    %dma_start3A_224 = tpu.memref_slice %arg4[%dma_start3A_216, %dma_start3A_222, %dma_start3A_223] : memref<50x4096x128xf32, #tpu.memory_space<hbm>> -> memref<1x4096x128xf32, #tpu.memory_space<hbm>>
    %dma_start3A_225 = tpu.memref_squeeze %dma_start3A_224 : memref<1x4096x128xf32, #tpu.memory_space<hbm>> -> memref<4096x128xf32, #tpu.memory_space<hbm>>
    %dma_start3A_226 = arith.constant 0 : i32
    %dma_start3A_227 = tpu.memref_slice %dma_start3A_225[%mul3A_2, %dma_start3A_226] : memref<4096x128xf32, #tpu.memory_space<hbm>> -> memref<128x128xf32, #tpu.memory_space<hbm>>
    %dma_start3A_228 = tpu.memref_slice %arg8[%dma_start3A_217] : memref<5x!tpu.dma_semaphore, #tpu.memory_space<semaphore_mem>> -> memref<1x!tpu.dma_semaphore, #tpu.memory_space<semaphore_mem>>
    %dma_start3A_229 = tpu.memref_squeeze %dma_start3A_228 : memref<1x!tpu.dma_semaphore, #tpu.memory_space<semaphore_mem>> -> memref<!tpu.dma_semaphore, #tpu.memory_space<semaphore_mem>>
    %dma_start3A_230 = arith.constant 0 : i32
    %dma_start3A_231 = arith.constant 0 : i32
    %dma_start3A_232 = tpu.memref_slice %arg4[%dma_start3A_216, %dma_start3A_230, %dma_start3A_231] : memref<50x4096x128xf32, #tpu.memory_space<hbm>> -> memref<1x4096x128xf32, #tpu.memory_space<hbm>>
    %dma_start3A_233 = tpu.memref_squeeze %dma_start3A_232 : memref<1x4096x128xf32, #tpu.memory_space<hbm>> -> memref<4096x128xf32, #tpu.memory_space<hbm>>
    %dma_start3A_234 = arith.constant 0 : i32
    %dma_start3A_235 = tpu.memref_slice %dma_start3A_233[%mul3A_2, %dma_start3A_234] : memref<4096x128xf32, #tpu.memory_space<hbm>> -> memref<128x128xf32, #tpu.memory_space<hbm>>
    %dma_start3A_236 = arith.constant 0 : i32
    %dma_start3A_237 = arith.constant 0 : i32
    %dma_start3A_238 = tpu.memref_slice %arg6[%dma_start3A_215, %dma_start3A_236, %dma_start3A_237] : memref<5x128x128xf32, #tpu.memory_space<vmem>> -> memref<1x128x128xf32, #tpu.memory_space<vmem>>
    %dma_start3A_239 = tpu.memref_squeeze %dma_start3A_238 : memref<1x128x128xf32, #tpu.memory_space<vmem>> -> memref<128x128xf32, #tpu.memory_space<vmem>>
    tpu.enqueue_dma source(%dma_start3A_239 : memref<128x128xf32, #tpu.memory_space<vmem>>) target(%dma_start3A_235 : memref<128x128xf32, #tpu.memory_space<hbm>>) target_semaphore(%dma_start3A_229 : memref<!tpu.dma_semaphore, #tpu.memory_space<semaphore_mem>>)
    %dma_wait3A_240 = arith.constant 0 : i32
    %dma_wait3A_241 = arith.constant 4 : i32
    %dma_wait3A_242 = arith.constant 4 : i32
    %dma_wait3A_243 = arith.constant 0 : i32
    %dma_wait3A_244 = arith.constant 0 : i32
    %dma_wait3A_245 = tpu.memref_slice %arg6[%dma_wait3A_241, %dma_wait3A_243, %dma_wait3A_244] : memref<5x128x128xf32, #tpu.memory_space<vmem>> -> memref<1x128x128xf32, #tpu.memory_space<vmem>>
    %dma_wait3A_246 = tpu.memref_squeeze %dma_wait3A_245 : memref<1x128x128xf32, #tpu.memory_space<vmem>> -> memref<128x128xf32, #tpu.memory_space<vmem>>
    %dma_wait3A_247 = arith.constant 0 : i32
    %dma_wait3A_248 = tpu.memref_slice %arg5[%dma_wait3A_240, %dma_wait3A_247] : memref<50x128xi32, #tpu.memory_space<vmem>> -> memref<1x128xi32, #tpu.memory_space<vmem>>
    %dma_wait3A_249 = tpu.memref_squeeze %dma_wait3A_248 : memref<1x128xi32, #tpu.memory_space<vmem>> -> memref<128xi32, #tpu.memory_space<vmem>>
    %dma_wait3A_250 = arith.constant 0 : i32
    %dma_wait3A_251 = arith.constant 0 : i32
    %dma_wait3A_252 = tpu.memref_slice %arg2[%dma_wait3A_250, %dma_wait3A_251] : memref<100001x128xf32, #tpu.memory_space<hbm>> -> memref<100001x128xf32, #tpu.memory_space<hbm>>
    %dma_wait3A_253 = tpu.memref_slice %arg7[%dma_wait3A_242] : memref<5x!tpu.dma_semaphore, #tpu.memory_space<semaphore_mem>> -> memref<1x!tpu.dma_semaphore, #tpu.memory_space<semaphore_mem>>
    %dma_wait3A_254 = tpu.memref_squeeze %dma_wait3A_253 : memref<1x!tpu.dma_semaphore, #tpu.memory_space<semaphore_mem>> -> memref<!tpu.dma_semaphore, #tpu.memory_space<semaphore_mem>>
    tpu.wait_indirect_dma semaphore(%dma_wait3A_254 : memref<!tpu.dma_semaphore, #tpu.memory_space<semaphore_mem>>) src(%dma_wait3A_252 : memref<100001x128xf32, #tpu.memory_space<hbm>>) dst(%dma_wait3A_246 : memref<128x128xf32, #tpu.memory_space<vmem>>)
    %dma_start3A_255 = arith.constant 4 : i32
    %dma_start3A_256 = arith.constant 49 : i32
    %dma_start3A_257 = arith.constant 4 : i32
    %dma_start3A_258 = arith.constant 0 : i32
    %dma_start3A_259 = arith.constant 0 : i32
    %dma_start3A_260 = tpu.memref_slice %arg6[%dma_start3A_255, %dma_start3A_258, %dma_start3A_259] : memref<5x128x128xf32, #tpu.memory_space<vmem>> -> memref<1x128x128xf32, #tpu.memory_space<vmem>>
    %dma_start3A_261 = tpu.memref_squeeze %dma_start3A_260 : memref<1x128x128xf32, #tpu.memory_space<vmem>> -> memref<128x128xf32, #tpu.memory_space<vmem>>
    %dma_start3A_262 = arith.constant 0 : i32
    %dma_start3A_263 = arith.constant 0 : i32
    %dma_start3A_264 = tpu.memref_slice %arg4[%dma_start3A_256, %dma_start3A_262, %dma_start3A_263] : memref<50x4096x128xf32, #tpu.memory_space<hbm>> -> memref<1x4096x128xf32, #tpu.memory_space<hbm>>
    %dma_start3A_265 = tpu.memref_squeeze %dma_start3A_264 : memref<1x4096x128xf32, #tpu.memory_space<hbm>> -> memref<4096x128xf32, #tpu.memory_space<hbm>>
    %dma_start3A_266 = arith.constant 0 : i32
    %dma_start3A_267 = tpu.memref_slice %dma_start3A_265[%mul3A_2, %dma_start3A_266] : memref<4096x128xf32, #tpu.memory_space<hbm>> -> memref<128x128xf32, #tpu.memory_space<hbm>>
    %dma_start3A_268 = tpu.memref_slice %arg8[%dma_start3A_257] : memref<5x!tpu.dma_semaphore, #tpu.memory_space<semaphore_mem>> -> memref<1x!tpu.dma_semaphore, #tpu.memory_space<semaphore_mem>>
    %dma_start3A_269 = tpu.memref_squeeze %dma_start3A_268 : memref<1x!tpu.dma_semaphore, #tpu.memory_space<semaphore_mem>> -> memref<!tpu.dma_semaphore, #tpu.memory_space<semaphore_mem>>
    %dma_start3A_270 = arith.constant 0 : i32
    %dma_start3A_271 = arith.constant 0 : i32
    %dma_start3A_272 = tpu.memref_slice %arg4[%dma_start3A_256, %dma_start3A_270, %dma_start3A_271] : memref<50x4096x128xf32, #tpu.memory_space<hbm>> -> memref<1x4096x128xf32, #tpu.memory_space<hbm>>
    %dma_start3A_273 = tpu.memref_squeeze %dma_start3A_272 : memref<1x4096x128xf32, #tpu.memory_space<hbm>> -> memref<4096x128xf32, #tpu.memory_space<hbm>>
    %dma_start3A_274 = arith.constant 0 : i32
    %dma_start3A_275 = tpu.memref_slice %dma_start3A_273[%mul3A_2, %dma_start3A_274] : memref<4096x128xf32, #tpu.memory_space<hbm>> -> memref<128x128xf32, #tpu.memory_space<hbm>>
    %dma_start3A_276 = arith.constant 0 : i32
    %dma_start3A_277 = arith.constant 0 : i32
    %dma_start3A_278 = tpu.memref_slice %arg6[%dma_start3A_255, %dma_start3A_276, %dma_start3A_277] : memref<5x128x128xf32, #tpu.memory_space<vmem>> -> memref<1x128x128xf32, #tpu.memory_space<vmem>>
    %dma_start3A_279 = tpu.memref_squeeze %dma_start3A_278 : memref<1x128x128xf32, #tpu.memory_space<vmem>> -> memref<128x128xf32, #tpu.memory_space<vmem>>
    tpu.enqueue_dma source(%dma_start3A_279 : memref<128x128xf32, #tpu.memory_space<vmem>>) target(%dma_start3A_275 : memref<128x128xf32, #tpu.memory_space<hbm>>) target_semaphore(%dma_start3A_269 : memref<!tpu.dma_semaphore, #tpu.memory_space<semaphore_mem>>)
    %dma_wait3A_280 = arith.constant 0 : i32
    %dma_wait3A_281 = arith.constant 0 : i32
    %dma_wait3A_282 = arith.constant 0 : i32
    %dma_wait3A_283 = arith.constant 0 : i32
    %dma_wait3A_284 = arith.constant 0 : i32
    %dma_wait3A_285 = tpu.memref_slice %arg6[%dma_wait3A_280, %dma_wait3A_283, %dma_wait3A_284] : memref<5x128x128xf32, #tpu.memory_space<vmem>> -> memref<1x128x128xf32, #tpu.memory_space<vmem>>
    %dma_wait3A_286 = tpu.memref_squeeze %dma_wait3A_285 : memref<1x128x128xf32, #tpu.memory_space<vmem>> -> memref<128x128xf32, #tpu.memory_space<vmem>>
    %dma_wait3A_287 = arith.constant 0 : i32
    %dma_wait3A_288 = arith.constant 0 : i32
    %dma_wait3A_289 = tpu.memref_slice %arg4[%dma_wait3A_281, %dma_wait3A_287, %dma_wait3A_288] : memref<50x4096x128xf32, #tpu.memory_space<hbm>> -> memref<1x4096x128xf32, #tpu.memory_space<hbm>>
    %dma_wait3A_290 = tpu.memref_squeeze %dma_wait3A_289 : memref<1x4096x128xf32, #tpu.memory_space<hbm>> -> memref<4096x128xf32, #tpu.memory_space<hbm>>
    %dma_wait3A_291 = arith.constant 0 : i32
    %dma_wait3A_292 = arith.constant 0 : i32
    %dma_wait3A_293 = tpu.memref_slice %dma_wait3A_290[%dma_wait3A_291, %dma_wait3A_292] : memref<4096x128xf32, #tpu.memory_space<hbm>> -> memref<128x128xf32, #tpu.memory_space<hbm>>
    %dma_wait3A_294 = tpu.memref_slice %arg8[%dma_wait3A_282] : memref<5x!tpu.dma_semaphore, #tpu.memory_space<semaphore_mem>> -> memref<1x!tpu.dma_semaphore, #tpu.memory_space<semaphore_mem>>
    %dma_wait3A_295 = tpu.memref_squeeze %dma_wait3A_294 : memref<1x!tpu.dma_semaphore, #tpu.memory_space<semaphore_mem>> -> memref<!tpu.dma_semaphore, #tpu.memory_space<semaphore_mem>>
    %dma_wait3A_296 = arith.constant 0 : i32
    %dma_wait3A_297 = arith.constant 0 : i32
    %dma_wait3A_298 = tpu.memref_slice %arg4[%dma_wait3A_281, %dma_wait3A_296, %dma_wait3A_297] : memref<50x4096x128xf32, #tpu.memory_space<hbm>> -> memref<1x4096x128xf32, #tpu.memory_space<hbm>>
    %dma_wait3A_299 = tpu.memref_squeeze %dma_wait3A_298 : memref<1x4096x128xf32, #tpu.memory_space<hbm>> -> memref<4096x128xf32, #tpu.memory_space<hbm>>
    %dma_wait3A_300 = arith.constant 0 : i32
    %dma_wait3A_301 = arith.constant 0 : i32
    %dma_wait3A_302 = tpu.memref_slice %dma_wait3A_299[%dma_wait3A_300, %dma_wait3A_301] : memref<4096x128xf32, #tpu.memory_space<hbm>> -> memref<128x128xf32, #tpu.memory_space<hbm>>
    %dma_wait3A_303 = arith.constant 0 : i32
    %dma_wait3A_304 = arith.constant 0 : i32
    %dma_wait3A_305 = tpu.memref_slice %arg6[%dma_wait3A_280, %dma_wait3A_303, %dma_wait3A_304] : memref<5x128x128xf32, #tpu.memory_space<vmem>> -> memref<1x128x128xf32, #tpu.memory_space<vmem>>
    %dma_wait3A_306 = tpu.memref_squeeze %dma_wait3A_305 : memref<1x128x128xf32, #tpu.memory_space<vmem>> -> memref<128x128xf32, #tpu.memory_space<vmem>>
    tpu.wait_dma2 semaphore(%dma_wait3A_295 : memref<!tpu.dma_semaphore, #tpu.memory_space<semaphore_mem>>) src(%dma_wait3A_306 : memref<128x128xf32, #tpu.memory_space<vmem>>) dst(%dma_wait3A_302 : memref<128x128xf32, #tpu.memory_space<hbm>>)
    %dma_wait3A_307 = arith.constant 1 : i32
    %dma_wait3A_308 = arith.constant 0 : i32
    %dma_wait3A_309 = arith.constant 1 : i32
    %dma_wait3A_310 = arith.constant 0 : i32
    %dma_wait3A_311 = arith.constant 0 : i32
    %dma_wait3A_312 = tpu.memref_slice %arg6[%dma_wait3A_307, %dma_wait3A_310, %dma_wait3A_311] : memref<5x128x128xf32, #tpu.memory_space<vmem>> -> memref<1x128x128xf32, #tpu.memory_space<vmem>>
    %dma_wait3A_313 = tpu.memref_squeeze %dma_wait3A_312 : memref<1x128x128xf32, #tpu.memory_space<vmem>> -> memref<128x128xf32, #tpu.memory_space<vmem>>
    %dma_wait3A_314 = arith.constant 0 : i32
    %dma_wait3A_315 = arith.constant 0 : i32
    %dma_wait3A_316 = tpu.memref_slice %arg4[%dma_wait3A_308, %dma_wait3A_314, %dma_wait3A_315] : memref<50x4096x128xf32, #tpu.memory_space<hbm>> -> memref<1x4096x128xf32, #tpu.memory_space<hbm>>
    %dma_wait3A_317 = tpu.memref_squeeze %dma_wait3A_316 : memref<1x4096x128xf32, #tpu.memory_space<hbm>> -> memref<4096x128xf32, #tpu.memory_space<hbm>>
    %dma_wait3A_318 = arith.constant 0 : i32
    %dma_wait3A_319 = arith.constant 0 : i32
    %dma_wait3A_320 = tpu.memref_slice %dma_wait3A_317[%dma_wait3A_318, %dma_wait3A_319] : memref<4096x128xf32, #tpu.memory_space<hbm>> -> memref<128x128xf32, #tpu.memory_space<hbm>>
    %dma_wait3A_321 = tpu.memref_slice %arg8[%dma_wait3A_309] : memref<5x!tpu.dma_semaphore, #tpu.memory_space<semaphore_mem>> -> memref<1x!tpu.dma_semaphore, #tpu.memory_space<semaphore_mem>>
    %dma_wait3A_322 = tpu.memref_squeeze %dma_wait3A_321 : memref<1x!tpu.dma_semaphore, #tpu.memory_space<semaphore_mem>> -> memref<!tpu.dma_semaphore, #tpu.memory_space<semaphore_mem>>
    %dma_wait3A_323 = arith.constant 0 : i32
    %dma_wait3A_324 = arith.constant 0 : i32
    %dma_wait3A_325 = tpu.memref_slice %arg4[%dma_wait3A_308, %dma_wait3A_323, %dma_wait3A_324] : memref<50x4096x128xf32, #tpu.memory_space<hbm>> -> memref<1x4096x128xf32, #tpu.memory_space<hbm>>
    %dma_wait3A_326 = tpu.memref_squeeze %dma_wait3A_325 : memref<1x4096x128xf32, #tpu.memory_space<hbm>> -> memref<4096x128xf32, #tpu.memory_space<hbm>>
    %dma_wait3A_327 = arith.constant 0 : i32
    %dma_wait3A_328 = arith.constant 0 : i32
    %dma_wait3A_329 = tpu.memref_slice %dma_wait3A_326[%dma_wait3A_327, %dma_wait3A_328] : memref<4096x128xf32, #tpu.memory_space<hbm>> -> memref<128x128xf32, #tpu.memory_space<hbm>>
    %dma_wait3A_330 = arith.constant 0 : i32
    %dma_wait3A_331 = arith.constant 0 : i32
    %dma_wait3A_332 = tpu.memref_slice %arg6[%dma_wait3A_307, %dma_wait3A_330, %dma_wait3A_331] : memref<5x128x128xf32, #tpu.memory_space<vmem>> -> memref<1x128x128xf32, #tpu.memory_space<vmem>>
    %dma_wait3A_333 = tpu.memref_squeeze %dma_wait3A_332 : memref<1x128x128xf32, #tpu.memory_space<vmem>> -> memref<128x128xf32, #tpu.memory_space<vmem>>
    tpu.wait_dma2 semaphore(%dma_wait3A_322 : memref<!tpu.dma_semaphore, #tpu.memory_space<semaphore_mem>>) src(%dma_wait3A_333 : memref<128x128xf32, #tpu.memory_space<vmem>>) dst(%dma_wait3A_329 : memref<128x128xf32, #tpu.memory_space<hbm>>)
    %dma_wait3A_334 = arith.constant 2 : i32
    %dma_wait3A_335 = arith.constant 0 : i32
    %dma_wait3A_336 = arith.constant 2 : i32
    %dma_wait3A_337 = arith.constant 0 : i32
    %dma_wait3A_338 = arith.constant 0 : i32
    %dma_wait3A_339 = tpu.memref_slice %arg6[%dma_wait3A_334, %dma_wait3A_337, %dma_wait3A_338] : memref<5x128x128xf32, #tpu.memory_space<vmem>> -> memref<1x128x128xf32, #tpu.memory_space<vmem>>
    %dma_wait3A_340 = tpu.memref_squeeze %dma_wait3A_339 : memref<1x128x128xf32, #tpu.memory_space<vmem>> -> memref<128x128xf32, #tpu.memory_space<vmem>>
    %dma_wait3A_341 = arith.constant 0 : i32
    %dma_wait3A_342 = arith.constant 0 : i32
    %dma_wait3A_343 = tpu.memref_slice %arg4[%dma_wait3A_335, %dma_wait3A_341, %dma_wait3A_342] : memref<50x4096x128xf32, #tpu.memory_space<hbm>> -> memref<1x4096x128xf32, #tpu.memory_space<hbm>>
    %dma_wait3A_344 = tpu.memref_squeeze %dma_wait3A_343 : memref<1x4096x128xf32, #tpu.memory_space<hbm>> -> memref<4096x128xf32, #tpu.memory_space<hbm>>
    %dma_wait3A_345 = arith.constant 0 : i32
    %dma_wait3A_346 = arith.constant 0 : i32
    %dma_wait3A_347 = tpu.memref_slice %dma_wait3A_344[%dma_wait3A_345, %dma_wait3A_346] : memref<4096x128xf32, #tpu.memory_space<hbm>> -> memref<128x128xf32, #tpu.memory_space<hbm>>
    %dma_wait3A_348 = tpu.memref_slice %arg8[%dma_wait3A_336] : memref<5x!tpu.dma_semaphore, #tpu.memory_space<semaphore_mem>> -> memref<1x!tpu.dma_semaphore, #tpu.memory_space<semaphore_mem>>
    %dma_wait3A_349 = tpu.memref_squeeze %dma_wait3A_348 : memref<1x!tpu.dma_semaphore, #tpu.memory_space<semaphore_mem>> -> memref<!tpu.dma_semaphore, #tpu.memory_space<semaphore_mem>>
    %dma_wait3A_350 = arith.constant 0 : i32
    %dma_wait3A_351 = arith.constant 0 : i32
    %dma_wait3A_352 = tpu.memref_slice %arg4[%dma_wait3A_335, %dma_wait3A_350, %dma_wait3A_351] : memref<50x4096x128xf32, #tpu.memory_space<hbm>> -> memref<1x4096x128xf32, #tpu.memory_space<hbm>>
    %dma_wait3A_353 = tpu.memref_squeeze %dma_wait3A_352 : memref<1x4096x128xf32, #tpu.memory_space<hbm>> -> memref<4096x128xf32, #tpu.memory_space<hbm>>
    %dma_wait3A_354 = arith.constant 0 : i32
    %dma_wait3A_355 = arith.constant 0 : i32
    %dma_wait3A_356 = tpu.memref_slice %dma_wait3A_353[%dma_wait3A_354, %dma_wait3A_355] : memref<4096x128xf32, #tpu.memory_space<hbm>> -> memref<128x128xf32, #tpu.memory_space<hbm>>
    %dma_wait3A_357 = arith.constant 0 : i32
    %dma_wait3A_358 = arith.constant 0 : i32
    %dma_wait3A_359 = tpu.memref_slice %arg6[%dma_wait3A_334, %dma_wait3A_357, %dma_wait3A_358] : memref<5x128x128xf32, #tpu.memory_space<vmem>> -> memref<1x128x128xf32, #tpu.memory_space<vmem>>
    %dma_wait3A_360 = tpu.memref_squeeze %dma_wait3A_359 : memref<1x128x128xf32, #tpu.memory_space<vmem>> -> memref<128x128xf32, #tpu.memory_space<vmem>>
    tpu.wait_dma2 semaphore(%dma_wait3A_349 : memref<!tpu.dma_semaphore, #tpu.memory_space<semaphore_mem>>) src(%dma_wait3A_360 : memref<128x128xf32, #tpu.memory_space<vmem>>) dst(%dma_wait3A_356 : memref<128x128xf32, #tpu.memory_space<hbm>>)
    %dma_wait3A_361 = arith.constant 3 : i32
    %dma_wait3A_362 = arith.constant 0 : i32
    %dma_wait3A_363 = arith.constant 3 : i32
    %dma_wait3A_364 = arith.constant 0 : i32
    %dma_wait3A_365 = arith.constant 0 : i32
    %dma_wait3A_366 = tpu.memref_slice %arg6[%dma_wait3A_361, %dma_wait3A_364, %dma_wait3A_365] : memref<5x128x128xf32, #tpu.memory_space<vmem>> -> memref<1x128x128xf32, #tpu.memory_space<vmem>>
    %dma_wait3A_367 = tpu.memref_squeeze %dma_wait3A_366 : memref<1x128x128xf32, #tpu.memory_space<vmem>> -> memref<128x128xf32, #tpu.memory_space<vmem>>
    %dma_wait3A_368 = arith.constant 0 : i32
    %dma_wait3A_369 = arith.constant 0 : i32
    %dma_wait3A_370 = tpu.memref_slice %arg4[%dma_wait3A_362, %dma_wait3A_368, %dma_wait3A_369] : memref<50x4096x128xf32, #tpu.memory_space<hbm>> -> memref<1x4096x128xf32, #tpu.memory_space<hbm>>
    %dma_wait3A_371 = tpu.memref_squeeze %dma_wait3A_370 : memref<1x4096x128xf32, #tpu.memory_space<hbm>> -> memref<4096x128xf32, #tpu.memory_space<hbm>>
    %dma_wait3A_372 = arith.constant 0 : i32
    %dma_wait3A_373 = arith.constant 0 : i32
    %dma_wait3A_374 = tpu.memref_slice %dma_wait3A_371[%dma_wait3A_372, %dma_wait3A_373] : memref<4096x128xf32, #tpu.memory_space<hbm>> -> memref<128x128xf32, #tpu.memory_space<hbm>>
    %dma_wait3A_375 = tpu.memref_slice %arg8[%dma_wait3A_363] : memref<5x!tpu.dma_semaphore, #tpu.memory_space<semaphore_mem>> -> memref<1x!tpu.dma_semaphore, #tpu.memory_space<semaphore_mem>>
    %dma_wait3A_376 = tpu.memref_squeeze %dma_wait3A_375 : memref<1x!tpu.dma_semaphore, #tpu.memory_space<semaphore_mem>> -> memref<!tpu.dma_semaphore, #tpu.memory_space<semaphore_mem>>
    %dma_wait3A_377 = arith.constant 0 : i32
    %dma_wait3A_378 = arith.constant 0 : i32
    %dma_wait3A_379 = tpu.memref_slice %arg4[%dma_wait3A_362, %dma_wait3A_377, %dma_wait3A_378] : memref<50x4096x128xf32, #tpu.memory_space<hbm>> -> memref<1x4096x128xf32, #tpu.memory_space<hbm>>
    %dma_wait3A_380 = tpu.memref_squeeze %dma_wait3A_379 : memref<1x4096x128xf32, #tpu.memory_space<hbm>> -> memref<4096x128xf32, #tpu.memory_space<hbm>>
    %dma_wait3A_381 = arith.constant 0 : i32
    %dma_wait3A_382 = arith.constant 0 : i32
    %dma_wait3A_383 = tpu.memref_slice %dma_wait3A_380[%dma_wait3A_381, %dma_wait3A_382] : memref<4096x128xf32, #tpu.memory_space<hbm>> -> memref<128x128xf32, #tpu.memory_space<hbm>>
    %dma_wait3A_384 = arith.constant 0 : i32
    %dma_wait3A_385 = arith.constant 0 : i32
    %dma_wait3A_386 = tpu.memref_slice %arg6[%dma_wait3A_361, %dma_wait3A_384, %dma_wait3A_385] : memref<5x128x128xf32, #tpu.memory_space<vmem>> -> memref<1x128x128xf32, #tpu.memory_space<vmem>>
    %dma_wait3A_387 = tpu.memref_squeeze %dma_wait3A_386 : memref<1x128x128xf32, #tpu.memory_space<vmem>> -> memref<128x128xf32, #tpu.memory_space<vmem>>
    tpu.wait_dma2 semaphore(%dma_wait3A_376 : memref<!tpu.dma_semaphore, #tpu.memory_space<semaphore_mem>>) src(%dma_wait3A_387 : memref<128x128xf32, #tpu.memory_space<vmem>>) dst(%dma_wait3A_383 : memref<128x128xf32, #tpu.memory_space<hbm>>)
    %dma_wait3A_388 = arith.constant 4 : i32
    %dma_wait3A_389 = arith.constant 0 : i32
    %dma_wait3A_390 = arith.constant 4 : i32
    %dma_wait3A_391 = arith.constant 0 : i32
    %dma_wait3A_392 = arith.constant 0 : i32
    %dma_wait3A_393 = tpu.memref_slice %arg6[%dma_wait3A_388, %dma_wait3A_391, %dma_wait3A_392] : memref<5x128x128xf32, #tpu.memory_space<vmem>> -> memref<1x128x128xf32, #tpu.memory_space<vmem>>
    %dma_wait3A_394 = tpu.memref_squeeze %dma_wait3A_393 : memref<1x128x128xf32, #tpu.memory_space<vmem>> -> memref<128x128xf32, #tpu.memory_space<vmem>>
    %dma_wait3A_395 = arith.constant 0 : i32
    %dma_wait3A_396 = arith.constant 0 : i32
    %dma_wait3A_397 = tpu.memref_slice %arg4[%dma_wait3A_389, %dma_wait3A_395, %dma_wait3A_396] : memref<50x4096x128xf32, #tpu.memory_space<hbm>> -> memref<1x4096x128xf32, #tpu.memory_space<hbm>>
    %dma_wait3A_398 = tpu.memref_squeeze %dma_wait3A_397 : memref<1x4096x128xf32, #tpu.memory_space<hbm>> -> memref<4096x128xf32, #tpu.memory_space<hbm>>
    %dma_wait3A_399 = arith.constant 0 : i32
    %dma_wait3A_400 = arith.constant 0 : i32
    %dma_wait3A_401 = tpu.memref_slice %dma_wait3A_398[%dma_wait3A_399, %dma_wait3A_400] : memref<4096x128xf32, #tpu.memory_space<hbm>> -> memref<128x128xf32, #tpu.memory_space<hbm>>
    %dma_wait3A_402 = tpu.memref_slice %arg8[%dma_wait3A_390] : memref<5x!tpu.dma_semaphore, #tpu.memory_space<semaphore_mem>> -> memref<1x!tpu.dma_semaphore, #tpu.memory_space<semaphore_mem>>
    %dma_wait3A_403 = tpu.memref_squeeze %dma_wait3A_402 : memref<1x!tpu.dma_semaphore, #tpu.memory_space<semaphore_mem>> -> memref<!tpu.dma_semaphore, #tpu.memory_space<semaphore_mem>>
    %dma_wait3A_404 = arith.constant 0 : i32
    %dma_wait3A_405 = arith.constant 0 : i32
    %dma_wait3A_406 = tpu.memref_slice %arg4[%dma_wait3A_389, %dma_wait3A_404, %dma_wait3A_405] : memref<50x4096x128xf32, #tpu.memory_space<hbm>> -> memref<1x4096x128xf32, #tpu.memory_space<hbm>>
    %dma_wait3A_407 = tpu.memref_squeeze %dma_wait3A_406 : memref<1x4096x128xf32, #tpu.memory_space<hbm>> -> memref<4096x128xf32, #tpu.memory_space<hbm>>
    %dma_wait3A_408 = arith.constant 0 : i32
    %dma_wait3A_409 = arith.constant 0 : i32
    %dma_wait3A_410 = tpu.memref_slice %dma_wait3A_407[%dma_wait3A_408, %dma_wait3A_409] : memref<4096x128xf32, #tpu.memory_space<hbm>> -> memref<128x128xf32, #tpu.memory_space<hbm>>
    %dma_wait3A_411 = arith.constant 0 : i32
    %dma_wait3A_412 = arith.constant 0 : i32
    %dma_wait3A_413 = tpu.memref_slice %arg6[%dma_wait3A_388, %dma_wait3A_411, %dma_wait3A_412] : memref<5x128x128xf32, #tpu.memory_space<vmem>> -> memref<1x128x128xf32, #tpu.memory_space<vmem>>
    %dma_wait3A_414 = tpu.memref_squeeze %dma_wait3A_413 : memref<1x128x128xf32, #tpu.memory_space<vmem>> -> memref<128x128xf32, #tpu.memory_space<vmem>>
    tpu.wait_dma2 semaphore(%dma_wait3A_403 : memref<!tpu.dma_semaphore, #tpu.memory_space<semaphore_mem>>) src(%dma_wait3A_414 : memref<128x128xf32, #tpu.memory_space<vmem>>) dst(%dma_wait3A_410 : memref<128x128xf32, #tpu.memory_space<hbm>>)
    return
  }
}

</mosaic_0001>

<sc_bundles>
// kernel: kernel.3.cloned.1.call-start
scs
__scs_entry_jumppad:
0x0: {  	(pc) =	sbr.rel $0x88, $3  }
0x1: {  	(tag) =	ssettag $0x0;
	lr =	simm.s32 $0x1  }
0x2: {  	[smem:$0x3F9F] =	sst lr;
	_ =	strace $0xD0000000  }
0x3: {  	_ = 	snop  }
0x4: {  	_ = 	snop  }
0x5: {  	_ = 	snop  }
0x6: {  	_ = 	snop  }
0x7: {  	_ = 	snop  }
__scs_overlays_trampoline_lowered:
0x8: {  	[smem:$0x3FAE] =	sst s0  }
0x9: {  	[smem:$0x3FAF] =	sst s1  }
0xa: {  	[smem:$0x3FB0] =	sst s2  }
0xb: {  	[smem:$0x3FB1] =	sst s3  }
0xc: {  	[smem:$0x3FB2] =	sst s4  }
0xd: {  	[smem:$0x3FB3] =	sst s5  }
0xe: {  	[smem:$0x3FB4] =	sst s6  }
0xf: {  	[smem:$0x3FB5] =	sst s7  }
0x10: {  	[smem:$0x3FB6] =	sst s8  }
0x11: {  	[smem:$0x3FB7] =	sst s9;
	s0 =	simm.s32 @!p0 $0x0  }
0x12: {  	s1 =	sld [smem:$0x3F9D];
	s0 =	simm.s32 @p0 $0x1  }
0x13: {  	[smem:$0x3FB8] =	sst s0;
	s0 =	simm.s32 @!p1 $0x0  }
0x14: {  	s2 =	sld [smem:$0x3F9C];
	s0 =	simm.s32 @p1 $0x1  }
0x15: {  	[smem:$0x3FB9] =	sst s0;
	s0 =	simm.s32 @!p2 $0x0  }
0x16: {  	s3 =	sld [smem:$0x3FDB];
	s0 =	simm.s32 @p2 $0x1  }
0x17: {  	s4 =	simm.s32 $0x1BF5;
	[smem:$0x3FBB] =	sst s0  }
0x18: {  	s0 =	sld [smem:$0x3F9E];
	_ =	swait.ge [sflag:s4], $0x0  }
0x19: {  	s7 =	sld [smem:$0x3F9F]  }
0x1a: {  	s8 =	sadd.s32 $0xFFFFE003, lr  }
0x1b: {  	s9 =	sadd.s32 $0xFFFFFEF7, lr;
	s5 =	simm.s32 $0xFFFFFFFF;
	p2 =	slt.u32 s8, $0xFFFFF086  }
0x1c: {  	p1 =	slt.u32 s9, $0xF7A;
	s5 =	simm.s32 @!p2 $0x0  }
0x1d: {  	s5 =	simm.s32 @p1 $0x1;
	p0 =	seq.s32 s7, s2  }
0x1e: {  	s7 =	smul.u32 @!p0 $0xF7A, s2;
	p2 =	seq.s32 @!p0 s5, $0x0  }
0x1f: {  	s9 =	smul.u32 $0xF7A, s1;
	s8 =	simm.s32 @!p0 $0x1BF5;
	p2 =	por !p2, p0  }
0x20: {  	[sflag:s8] =	ssyncset.s32 @!p0 $0xFFFFF086;
	s6 =	sadd.s32 @!p0 s3, s7;
	s7 =	simm.s32 @!p0 $0x108  }
0x21: {  	s3 =	sadd.s32 s3, s9;
	s6 =	sadd.s32 @!p0 $0x88, s6;
	s7 =	simm.s32 @p2 $0x1082  }
0x22: {  	[simem:s7], [sflag:s8] =	dma.local @!p0 [hbm:s6], $0xF7A  }
0x23: {  	s9 =	sor.u32 $0xD0000000, s2;
	s6 =	simm.s32 $0x108;
	_ =	swait.ge @!p0 [sflag:s8], $0x0  }
0x24: {  	s3 =	sadd.s32 $0x88, s3;
	s6 =	simm.s32 @!p1 $0x1082;
	[sflag:s4] =	ssyncset.s32 $0xFFFFF086  }
0x25: {  	[simem:s6], [sflag:s4] =	dma.local [hbm:s3], $0xF7A  }
0x26: {  	[smem:$0x3F9F] =	sst s1;
	(tag) =	ssettag s2;
	_ =	strace s9  }
0x27: {  	s1 =	sld [smem:$0x3FAF]  }
0x28: {  	s2 =	sld [smem:$0x3FB0]  }
0x29: {  	s4 =	sld [smem:$0x3FB2]  }
0x2a: {  	p0 =	seq.s32 s5, $0x0;
	s5 =	sld [smem:$0x3FB3]  }
0x2b: {  	s6 =	sld [smem:$0x3FB4]  }
0x2c: {  	s7 =	sld [smem:$0x3FB5]  }
0x2d: {  	s3 =	simm.s32 $0x108;
	s8 =	sld [smem:$0x3FB6]  }
0x2e: {  	s3 =	simm.s32 @!p0 $0x1082;
	s9 =	sld [smem:$0x3FB7]  }
0x2f: {  	lr =	sadd.s32 s0, s3;
	s0 =	sld [smem:$0x3FAE]  }
0x30: {  	s3 =	sld [smem:$0x3FB1]  }
0x31: {  	[smem:$0x3FBA] =	sst s10  }
0x32: {  	s10 =	sld [smem:$0x3FB8];
	_ =	sdelay $0x3  }
0x33: {  	p0 =	seq.s32 s10, $0x1;
	s10 =	sld [smem:$0x3FBA];
	_ =	sdelay $0x3  }
0x34: {  	[smem:$0x3FBA] =	sst s10  }
0x35: {  	s10 =	sld [smem:$0x3FB9];
	_ =	sdelay $0x3  }
0x36: {  	p1 =	seq.s32 s10, $0x1;
	s10 =	sld [smem:$0x3FBA];
	_ =	sdelay $0x3  }
0x37: {  	[smem:$0x3FBA] =	sst s10  }
0x38: {  	s10 =	sld [smem:$0x3FBB]  }
0x39: {  	_ = 	snop;
	(pc) =	sbr.ind lr, $3  }
0x3a: {  	_ = 	snop  }
0x3b: {  	_ = 	snop  }
0x3c: {  	p2 =	seq.s32 s10, $0x1;
	s10 =	sld [smem:$0x3FBA]  }
0x3d: {  	_ =	shalt  }
0x3e: {  	_ =	shalt  }
0x3f: {  	_ =	shalt  }
0x40: {  	_ =	shalt  }
0x41: {  	_ =	shalt  }
0x42: {  	_ =	shalt  }
0x43: {  	_ =	shalt  }
0x44: {  	_ =	shalt  }
0x45: {  	_ =	shalt  }
0x46: {  	_ =	shalt  }
0x47: {  	_ =	shalt  }
0x48: {  	_ =	shalt  }
0x49: {  	_ =	shalt  }
0x4a: {  	_ =	shalt  }
0x4b: {  	_ =	shalt  }
0x4c: {  	_ =	shalt  }
0x4d: {  	_ =	shalt  }
0x4e: {  	_ =	shalt  }
0x4f: {  	_ =	shalt  }
0x50: {  	_ =	shalt  }
0x51: {  	_ =	shalt  }
0x52: {  	_ =	shalt  }
0x53: {  	_ =	shalt  }
0x54: {  	_ =	shalt  }
0x55: {  	_ =	shalt  }
0x56: {  	_ =	shalt  }
0x57: {  	_ =	shalt  }
0x58: {  	_ =	shalt  }
0x59: {  	_ =	shalt  }
0x5a: {  	_ =	shalt  }
0x5b: {  	_ =	shalt  }
0x5c: {  	_ =	shalt  }
0x5d: {  	_ =	shalt  }
0x5e: {  	_ =	shalt  }
0x5f: {  	_ =	shalt  }
0x60: {  	_ =	shalt  }
0x61: {  	_ =	shalt  }
0x62: {  	_ =	shalt  }
0x63: {  	_ =	shalt  }
0x64: {  	_ =	shalt  }
0x65: {  	_ =	shalt  }
0x66: {  	_ =	shalt  }
0x67: {  	_ =	shalt  }
0x68: {  	_ =	shalt  }
0x69: {  	_ =	shalt  }
0x6a: {  	_ =	shalt  }
0x6b: {  	_ =	shalt  }
0x6c: {  	_ =	shalt  }
0x6d: {  	_ =	shalt  }
0x6e: {  	_ =	shalt  }
0x6f: {  	_ =	shalt  }
0x70: {  	_ =	shalt  }
0x71: {  	_ =	shalt  }
0x72: {  	_ =	shalt  }
0x73: {  	_ =	shalt  }
0x74: {  	_ =	shalt  }
0x75: {  	_ =	shalt  }
0x76: {  	_ =	shalt  }
0x77: {  	_ =	shalt  }
0x78: {  	_ =	shalt  }
0x79: {  	_ =	shalt  }
0x7a: {  	_ =	shalt  }
0x7b: {  	_ =	shalt  }
0x7c: {  	_ =	shalt  }
0x7d: {  	_ =	shalt  }
0x7e: {  	_ =	shalt  }
0x7f: {  	_ =	shalt  }
0x80: {  	_ =	shalt  }
0x81: {  	_ =	shalt  }
0x82: {  	_ =	shalt  }
0x83: {  	_ =	shalt  }
0x84: {  	_ =	shalt  }
0x85: {  	_ =	shalt  }
0x86: {  	_ =	shalt  }
0x87: {  	_ =	shalt  }
.Lfunc_end0:
.L_simem_size_0:
called_computation_lowered:
.L_overlay_start_0:
0x88: {  	s2 =	sld [smem:$0x3FD9]  }
0x89: {  	s3 =	sld [smem:$0x3FFE];
	_ =	sdelay $0x1  }
0x8a: {  	s1 =	srdreg.scid  }
0x8b: {  	s0 =	sand.u32 $0x1, s1  }
0x8c: {  	s18 =	sshll.u32 s0, $0xA;
	s2 =	sadd.s32 s3, s2  }
0x8d: {  	s2 =	sadd.s32 s2, s18  }
0x8e: {  	[smem:$0x3FC6] =	sst s2  }
0x8f: {  	_ = 	snop  }
0x90: {  	s2 =	sld [smem:$0x3FC9]  }
0x91: {  	s19 =	sld [smem:$0x3FC8]  }
0x92: {  	s4 =	sld [smem:$0x3FD0];
	(tm) =	ssettm $0x1  }
0x93: {  	s5 =	sld [smem:$0x3FFB];
	_ =	sdelay $0x3  }
0x94: {  	_ =	strace s5  }
0x95: {  	s5 =	sld [smem:$0x3FFC];
	_ =	sdelay $0x3  }
0x96: {  	_ =	strace s5  }
0x97: {  	s5 =	sld [smem:$0x3FFD];
	_ =	sdelay $0x3  }
0x98: {  	_ =	strace s5  }
0x99: {  	_ =	strace $0x8FFFFFFF  }
0x9a: {  	s20 =	sld [smem:$0x3FDB];
	_ =	sdelay $0x1  }
0x9b: {  	s6 =	simm.s32 $_scs_section_size  }
0x9c: {  	s7 =	simm.s32 $_size__tile_overlayer_lowered;
	s8 =	simm.s32 $_tile_overlayer_lowered  }
0x9d: {  	s23 =	simm.s32 $0x1BFF;
	s22 =	sshll.u32 s8, $0x1;
	s5 =	sadd.s32 s6, s20  }
0x9e: {  	s9 =	simm.s32 $0x0;
	s21 =	sshll.u32 s7, $0x1;
	s7 =	sadd.s32 s22, s5  }
0x9f: {  	[timem:s9], [sflag:s23] =	dma.local [hbm:s7], s21  }
0xa0: {  	_ =	swait.ge [sflag:s23], s21  }
0xa1: {  	s6 =	ssub.s32 $0x0, s21;
	[sflag:s23] =	ssyncset.done $0x0  }
0xa2: {  	[sflag:s23] =	ssyncadd.s32 s6;
	_ =	sdelay $0x1  }
0xa3: {  	s24 =	simm.s32 $0x1B8B  }
0xa4: {  	_ =	swait.ge [sflag:s24], $0x1  }
0xa5: {  	[sflag:s24] =	ssyncset.done $0x0  }
0xa6: {  	s25 =	simm.s32 $0x1B8E;
	[sflag:s24] =	ssyncadd.s32 $0xFFFFFFFF  }
0xa7: {  	s26 =	simm.s32 $execute0_lowered;
	[smem:$0x3FD2] =	sst s25  }
0xa8: {  	s6 =	sshll.u32 s26, $0x1;
	_ =	strace $0x80000046;
	[dreg:$0x1] =	wrdreg $0xFFFFFFFF  }
0xa9: {  	s28 =	simm.s32 $_size_execute0_lowered;
	s5 =	sadd.s32 s5, s6;
	[dreg:$0x0] =	wrdreg $0x0  }
0xaa: {  	s6 =	sshll.u32 s28, $0x1;
	[dreg:$0x2] =	wrdreg s5  }
0xab: {  	[dreg:$0x3] =	wrdreg s6  }
0xac: {  	[dreg:$0x4] =	wrdreg $0xC0  }
0xad: {  	_ =	task [dreg:s9], $0x5FFFF  }
0xae: {  	[dreg:$0x1] =	wrdreg $0xFFFFFFFF  }
0xaf: {  	[dreg:$0x0] =	wrdreg $0x60  }
0xb0: {  	[dreg:$0x2] =	wrdreg s19  }
0xb1: {  	[dreg:$0x3] =	wrdreg s2  }
0xb2: {  	[dreg:$0x4] =	wrdreg s4  }
0xb3: {  	[dreg:$0x5] =	wrdreg $0x9  }
0xb4: {  	_ =	task.clear_ibuf [dreg:s9], $0x6FFFF;
	_ =	strace $0x90000046  }
0xb5: {  	s29 =	simm.s32 $0x9;
	_ =	strace $0x80000048  }
0xb6: {  	_ =	swait.ge [sflag:s29], $0x1  }
0xb7: {  	[sflag:s29] =	ssyncadd.s32 $0xFFFFFFFF  }
0xb8: {  	_ =	strace $0x90000048  }
0xb9: {  	_ =	sfence  }
0xba: {  	s30 =	sld [smem:$0x0];
	_ =	sdelay $0x2  }
0xbb: {  	s31 =	sshll.u32 s1, $0xD;
	s1 =	sshrl.u32 s1, $0x2  }
0xbc: {  	s3 =	sand.u32 $0x4000, s31;
	s1 =	sadd.s32 s1, s30  }
0xbd: {  	s0 =	sor.u32 s3, s0;
	s1 =	sshll.u32 s1, $0x11  }
0xbe: {  	s0 =	sor.u32 s1, s0  }
0xbf: {  	s0 =	sadd.s32 $0x8F2B, s0  }
0xc0: {  	[sflag:s0] =	ssyncadd.remote.s32 $0x1  }
0xc1: {  	_ =	sfence.sel $0xFFFF  }
0xc2: {  	[dreg:$0x0] =	wrdreg $0xFFFFFFFF;
	(pc) =	sbr.abs _section_cstart, $3  }
0xc3: {  	[dreg:$0x1] =	wrdreg $0xFFFFFFFF  }
0xc4: {  	_ =	task.clear_ibuf [dreg:s9], $0x2FFFF;
	_ =	strace $0x9FFFFFFF  }
0xc5: {  	(tm) =	ssettm $0x7FFFFFFF  }
tec
execute0_lowered:
.L_overlay_start_1:
0x0: {  	(tag) =	ssettag $0x1  }
0x1: {  	s1 =	rddreg [dreg:$0x0]  }
0x2: {  	s0 =	rddreg [dreg:$0x1]  }
0x3: {  	s2 =	rddreg [dreg:$0x2]  }
0x4: {  	s3 =	simm.s32 $0x0;
	s4 =	srdreg.scid;
	s6 =	stileid.u32  }
0x5: {  	s13 =	simm.s32 $0xB;
	s14 =	simm.s32 $0x80;
	s15 =	simm.s32 $0x1C00  }
0x6: {  	s16 =	simm.s32 $0x5C00;
	s18 =	simm.s32 $0x9C00;
	s20 =	simm.s32 $0xDC00  }
0x7: {  	s21 =	simm.s32 $0x1;
	s28 =	simm.s32 $0x11C00;
	s29 =	simm.s32 $0x2  }
0x8: {  	s30 =	simm.s32 $0x6;
	s31 =	simm.s32 $0x3;
	s11 =	simm.s32 $0x5  }
0x9: {  	s12 =	simm.s32 $0x9;
	s17 =	simm.s32 $0xA;
	s19 =	simm.s32 $0x0  }
0xa: {  	[smem:$0x7FF] =	sst s3;
	s4 =	sand.u32 $0x1, s4;
	s6 =	sshll.u32 s6, $0x8  }
0xb: {  	s24 =	sadd.s32 $0x10000, s2;
	s25 =	sadd.s32 $0x2F0000, s2;
	s26 =	sadd.s32 $0x300000, s2  }
0xc: {  	s10 =	sadd.s32 $0x310000, s2;
	s5 =	ssub.s32 $0x2, s4;
	s4 =	sshll.u32 s4, $0x7  }
0xd: {  	s9 =	sadd.s32 $0x60000, s2;
	s7 =	sshrl.u32 s5, $0x1;
	s4 =	sor.u32 s4, s6  }
0xe: {  	_ =	strace $0x80000047;
	s22 =	ssub.s32 s5, s7;
	s0 =	sadd.s32 s0, s4  }
0xf: {  	s5 =	sshll.u32 s4, $0x4;
	[dreg:$0x4] =	wrdreg s0;
	s0 =	sadd.s32 $0x6000, s0  }
0x10: {  	s23 =	sadd.s32 s2, s5;
	s6 =	smax.u32 s22, $0x1;
	[dreg:$0x5] =	wrdreg s0  }
0x11: {  	s22 =	sadd.s32 s5, s24;
	s24 =	sadd.s32 s5, s26;
	[dreg:$0x6] =	wrdreg s23  }
0x12: {  	s2 =	simm.s32 $0x4;
	[dreg:$0x7] =	wrdreg s6;
	s23 =	sadd.s32 s5, s25  }
0x13: {  	s25 =	sadd.s32 s5, s10;
	s0 =	simm.s32 $0x7;
	s10 =	simm.s32 $0x8  }
.LBB2_1:
0x14: {  	s4 =	rddreg [dreg:$0x4];
	s6 =	simm.s32 $0x400;
	s7 =	simm.s32 $0x8000  }
0x15: {  	[tilespmem:s3], [sflag:$0xB] =	stream.strided.gather [hbm4b:s4+s6], $0x1800, s7, s6, $0x38;
	[tilespmem:$0x15C00] =	vst v63  }
0x16: {  	s8 =	rddreg [dreg:$0x5];
	s26 =	simm.s32 $0x1800  }
0x17: {  	[tilespmem:s26], [sflag:$0xB] =	stream.linear.gather [hbm4b:s8+s3], $0x100, $0x38;
	[tilespmem:$0x15C00] =	vst v63  }
0x18: {  	_ =	swait.ge [sflag:s13], $0x1900  }
0x19: {  	[sflag:s13] =	ssyncset.done $0x0  }
0x1a: {  	[sflag:s13] =	ssyncadd.s32 $0xFFFFE700  }
0x1b: {  	[tilespmem:s15], [sflag:$0x1] =	stream.indirect.gather [hbm4b:s1+s14], $0x80, s3, s14, $0xb8;
	[tilespmem:$0x15C00] =	vst v63  }
0x1c: {  	_ = 	snop  }
0x1d: {  	[tilespmem:s16], [sflag:$0x2] =	stream.indirect.gather [hbm4b:s1+s14], $0x80, s14, s14, $0xb8;
	[tilespmem:$0x15C00] =	vst v63  }
0x1e: {  	s6 =	simm.s32 $0x100  }
0x1f: {  	[tilespmem:s18], [sflag:$0x3] =	stream.indirect.gather [hbm4b:s1+s14], $0x80, s6, s14, $0xb8;
	[tilespmem:$0x15C00] =	vst v63  }
0x20: {  	s7 =	simm.s32 $0x180  }
0x21: {  	[tilespmem:s20], [sflag:$0x4] =	stream.indirect.gather [hbm4b:s1+s14], $0x80, s7, s14, $0xb8;
	[tilespmem:$0x15C00] =	vst v63  }
0x22: {  	_ =	swait.ge [sflag:s21], $0x4000  }
0x23: {  	[sflag:s21] =	ssyncset.done $0x0  }
0x24: {  	s8 =	rddreg [dreg:$0x6];
	[sflag:s21] =	ssyncadd.s32 $0xFFFFC000  }
0x25: {  	[hbm4b:s8+s3] =	stream.linear.scatter [tilespmem:s15], [sflag:$0x6], $0x4000, $0x38;
	[tilespmem:$0x15C00] =	vst v63  }
0x26: {  	s26 =	simm.s32 $0x200  }
0x27: {  	[tilespmem:s28], [sflag:$0x5] =	stream.indirect.gather [hbm4b:s1+s14], $0x80, s26, s14, $0xb8;
	[tilespmem:$0x15C00] =	vst v63  }
0x28: {  	_ =	swait.ge [sflag:s29], $0x4000  }
0x29: {  	[sflag:s29] =	ssyncset.done $0x0  }
0x2a: {  	[sflag:s29] =	ssyncadd.s32 $0xFFFFC000  }
0x2b: {  	[hbm4b:s22+s3] =	stream.linear.scatter [tilespmem:s16], [sflag:$0x7], $0x4000, $0x38;
	[tilespmem:$0x15C00] =	vst v63  }
0x2c: {  	_ =	swait.ge [sflag:s30], $0x4000  }
0x2d: {  	[sflag:s30] =	ssyncset.done $0x0  }
0x2e: {  	s6 =	simm.s32 $0x280;
	[sflag:s30] =	ssyncadd.s32 $0xFFFFC000  }
0x2f: {  	[tilespmem:s15], [sflag:$0x1] =	stream.indirect.gather [hbm4b:s1+s14], $0x80, s6, s14, $0xb8;
	[tilespmem:$0x15C00] =	vst v63  }
0x30: {  	_ =	swait.ge [sflag:s31], $0x4000  }
0x31: {  	s26 =	sadd.s32 s5, s9;
	[sflag:s31] =	ssyncset.done $0x0  }
0x32: {  	s7 =	sadd.s32 $0xFFFC0000, s26;
	[sflag:s31] =	ssyncadd.s32 $0xFFFFC000  }
0x33: {  	[hbm4b:s7+s3] =	stream.linear.scatter [tilespmem:s18], [sflag:$0x8], $0x4000, $0x38;
	[tilespmem:$0x15C00] =	vst v63  }
0x34: {  	_ =	swait.ge [sflag:s0], $0x4000  }
0x35: {  	[sflag:s0] =	ssyncset.done $0x0  }
0x36: {  	s8 =	simm.s32 $0x300;
	[sflag:s0] =	ssyncadd.s32 $0xFFFFC000  }
0x37: {  	[tilespmem:s16], [sflag:$0x2] =	stream.indirect.gather [hbm4b:s1+s14], $0x80, s8, s14, $0xb8;
	[tilespmem:$0x15C00] =	vst v63  }
0x38: {  	_ =	swait.ge [sflag:s2], $0x4000  }
0x39: {  	[sflag:s2] =	ssyncset.done $0x0  }
0x3a: {  	s6 =	sadd.s32 $0xFFFD0000, s26;
	[sflag:s2] =	ssyncadd.s32 $0xFFFFC000  }
0x3b: {  	[hbm4b:s6+s3] =	stream.linear.scatter [tilespmem:s20], [sflag:$0x9], $0x4000, $0x38;
	[tilespmem:$0x15C00] =	vst v63  }
0x3c: {  	_ =	swait.ge [sflag:s10], $0x4000  }
0x3d: {  	[sflag:s10] =	ssyncset.done $0x0  }
0x3e: {  	s7 =	simm.s32 $0x380;
	[sflag:s10] =	ssyncadd.s32 $0xFFFFC000  }
0x3f: {  	[tilespmem:s18], [sflag:$0x3] =	stream.indirect.gather [hbm4b:s1+s14], $0x80, s7, s14, $0xb8;
	[tilespmem:$0x15C00] =	vst v63  }
0x40: {  	_ =	swait.ge [sflag:s11], $0x4000  }
0x41: {  	[sflag:s11] =	ssyncset.done $0x0  }
0x42: {  	s8 =	sadd.s32 $0xFFFE0000, s26;
	[sflag:s11] =	ssyncadd.s32 $0xFFFFC000  }
0x43: {  	[hbm4b:s8+s3] =	stream.linear.scatter [tilespmem:s28], [sflag:$0xA], $0x4000, $0x38;
	[tilespmem:$0x15C00] =	vst v63  }
0x44: {  	_ =	swait.ge [sflag:s12], $0x4000  }
0x45: {  	[sflag:s12] =	ssyncset.done $0x0  }
0x46: {  	s6 =	simm.s32 $0x400;
	[sflag:s12] =	ssyncadd.s32 $0xFFFFC000  }
0x47: {  	[tilespmem:s20], [sflag:$0x4] =	stream.indirect.gather [hbm4b:s1+s14], $0x80, s6, s14, $0xb8;
	[tilespmem:$0x15C00] =	vst v63  }
0x48: {  	_ =	swait.ge [sflag:s21], $0x4000  }
0x49: {  	[sflag:s21] =	ssyncset.done $0x0  }
0x4a: {  	s7 =	sadd.s32 $0xFFFF0000, s26;
	[sflag:s21] =	ssyncadd.s32 $0xFFFFC000  }
0x4b: {  	[hbm4b:s7+s3] =	stream.linear.scatter [tilespmem:s15], [sflag:$0x6], $0x4000, $0x38;
	[tilespmem:$0x15C00] =	vst v63  }
0x4c: {  	_ =	swait.ge [sflag:s17], $0x4000  }
0x4d: {  	[sflag:s17] =	ssyncset.done $0x0  }
0x4e: {  	s8 =	simm.s32 $0x480;
	[sflag:s17] =	ssyncadd.s32 $0xFFFFC000  }
0x4f: {  	[tilespmem:s28], [sflag:$0x5] =	stream.indirect.gather [hbm4b:s1+s14], $0x80, s8, s14, $0xb8;
	[tilespmem:$0x15C00] =	vst v63  }
0x50: {  	_ =	swait.ge [sflag:s29], $0x4000  }
0x51: {  	[sflag:s29] =	ssyncset.done $0x0  }
0x52: {  	s6 =	simm.s32 $0xA00;
	s7 =	sadd.s32 $0x50000, s9;
	[sflag:s29] =	ssyncadd.s32 $0xFFFFC000  }
.LBB2_2:
0x53: {  	[hbm4b:s26+s3] =	stream.linear.scatter [tilespmem:s16], [sflag:$0x7], $0x4000, $0x38;
	[tilespmem:$0x15C00] =	vst v63  }
0x54: {  	s4 =	smov.u32 s6  }
0x55: {  	p0 =	sne.s32 s6, $0x5000;
	s6 =	sadd.s32 $0xA00, s6;
	_ =	swait.ge [sflag:s30], $0x4000  }
0x56: {  	s4 =	sshra.s32 s4, $0x2;
	[sflag:s30] =	ssyncset.done $0x0  }
0x57: {  	s26 =	sadd.s32 $0x280, s4;
	[sflag:s30] =	ssyncadd.s32 $0xFFFFC000  }
0x58: {  	[tilespmem:s15], [sflag:$0x1] =	stream.indirect.gather [hbm4b:s1+s14], $0x80, s26, s14, $0xb8;
	[tilespmem:$0x15C00] =	vst v63  }
0x59: {  	_ =	swait.ge [sflag:s31], $0x4000  }
0x5a: {  	s26 =	sadd.s32 s5, s7;
	[sflag:s31] =	ssyncset.done $0x0  }
0x5b: {  	s8 =	sadd.s32 $0xFFFC0000, s26;
	[sflag:s31] =	ssyncadd.s32 $0xFFFFC000  }
0x5c: {  	[hbm4b:s8+s3] =	stream.linear.scatter [tilespmem:s18], [sflag:$0x8], $0x4000, $0x38;
	[tilespmem:$0x15C00] =	vst v63  }
0x5d: {  	_ =	swait.ge [sflag:s0], $0x4000  }
0x5e: {  	[sflag:s0] =	ssyncset.done $0x0  }
0x5f: {  	s8 =	sadd.s32 $0x300, s4;
	[sflag:s0] =	ssyncadd.s32 $0xFFFFC000  }
0x60: {  	[tilespmem:s16], [sflag:$0x2] =	stream.indirect.gather [hbm4b:s1+s14], $0x80, s8, s14, $0xb8;
	[tilespmem:$0x15C00] =	vst v63  }
0x61: {  	_ =	swait.ge [sflag:s2], $0x4000  }
0x62: {  	[sflag:s2] =	ssyncset.done $0x0  }
0x63: {  	s8 =	sadd.s32 $0xFFFD0000, s26;
	[sflag:s2] =	ssyncadd.s32 $0xFFFFC000  }
0x64: {  	[hbm4b:s8+s3] =	stream.linear.scatter [tilespmem:s20], [sflag:$0x9], $0x4000, $0x38;
	[tilespmem:$0x15C00] =	vst v63  }
0x65: {  	_ =	swait.ge [sflag:s10], $0x4000  }
0x66: {  	[sflag:s10] =	ssyncset.done $0x0  }
0x67: {  	s8 =	sadd.s32 $0x380, s4;
	[sflag:s10] =	ssyncadd.s32 $0xFFFFC000  }
0x68: {  	[tilespmem:s18], [sflag:$0x3] =	stream.indirect.gather [hbm4b:s1+s14], $0x80, s8, s14, $0xb8;
	[tilespmem:$0x15C00] =	vst v63  }
0x69: {  	_ =	swait.ge [sflag:s11], $0x4000  }
0x6a: {  	[sflag:s11] =	ssyncset.done $0x0  }
0x6b: {  	s8 =	sadd.s32 $0xFFFE0000, s26;
	[sflag:s11] =	ssyncadd.s32 $0xFFFFC000  }
0x6c: {  	[hbm4b:s8+s3] =	stream.linear.scatter [tilespmem:s28], [sflag:$0xA], $0x4000, $0x38;
	[tilespmem:$0x15C00] =	vst v63  }
0x6d: {  	_ =	swait.ge [sflag:s12], $0x4000  }
0x6e: {  	[sflag:s12] =	ssyncset.done $0x0  }
0x6f: {  	s8 =	sadd.s32 $0x400, s4;
	[sflag:s12] =	ssyncadd.s32 $0xFFFFC000  }
0x70: {  	[tilespmem:s20], [sflag:$0x4] =	stream.indirect.gather [hbm4b:s1+s14], $0x80, s8, s14, $0xb8;
	[tilespmem:$0x15C00] =	vst v63  }
0x71: {  	_ =	swait.ge [sflag:s21], $0x4000  }
0x72: {  	[sflag:s21] =	ssyncset.done $0x0  }
0x73: {  	s8 =	sadd.s32 $0xFFFF0000, s26;
	[sflag:s21] =	ssyncadd.s32 $0xFFFFC000  }
0x74: {  	[hbm4b:s8+s3] =	stream.linear.scatter [tilespmem:s15], [sflag:$0x6], $0x4000, $0x38;
	[tilespmem:$0x15C00] =	vst v63  }
0x75: {  	_ =	swait.ge [sflag:s17], $0x4000  }
0x76: {  	[sflag:s17] =	ssyncset.done $0x0  }
.Ltmp0:
0x77: {  	s4 =	sadd.s32 $0x480, s4;
	[sflag:s17] =	ssyncadd.s32 $0xFFFFC000;
	(pc) =	sbr.rel @p0 .LBB2_2-.Ltmp0, $4  }
0x78: {  	[tilespmem:s28], [sflag:$0x5] =	stream.indirect.gather [hbm4b:s1+s14], $0x80, s4, s14, $0xb8;
	[tilespmem:$0x15C00] =	vst v63  }
0x79: {  	_ =	swait.ge [sflag:s29], $0x4000  }
0x7a: {  	[sflag:s29] =	ssyncset.done $0x0  }
0x7b: {  	s7 =	sadd.s32 $0x50000, s7;
	[sflag:s29] =	ssyncadd.s32 $0xFFFFC000  }
0x7c: {  	[hbm4b:s26+s3] =	stream.linear.scatter [tilespmem:s16], [sflag:$0x7], $0x4000, $0x38;
	[tilespmem:$0x15C00] =	vst v63  }
0x7d: {  	_ =	swait.ge [sflag:s31], $0x4000  }
0x7e: {  	[sflag:s31] =	ssyncset.done $0x0  }
0x7f: {  	[sflag:s31] =	ssyncadd.s32 $0xFFFFC000  }
0x80: {  	[hbm4b:s23+s3] =	stream.linear.scatter [tilespmem:s18], [sflag:$0x8], $0x4000, $0x38;
	[tilespmem:$0x15C00] =	vst v63  }
0x81: {  	_ =	swait.ge [sflag:s2], $0x4000  }
0x82: {  	[sflag:s2] =	ssyncset.done $0x0  }
0x83: {  	[sflag:s2] =	ssyncadd.s32 $0xFFFFC000  }
0x84: {  	[hbm4b:s24+s3] =	stream.linear.scatter [tilespmem:s20], [sflag:$0x9], $0x4000, $0x38;
	[tilespmem:$0x15C00] =	vst v63  }
0x85: {  	_ =	swait.ge [sflag:s11], $0x4000  }
0x86: {  	[sflag:s11] =	ssyncset.done $0x0  }
0x87: {  	[sflag:s11] =	ssyncadd.s32 $0xFFFFC000  }
0x88: {  	[hbm4b:s25+s3] =	stream.linear.scatter [tilespmem:s28], [sflag:$0xA], $0x4000, $0x38;
	[tilespmem:$0x15C00] =	vst v63  }
0x89: {  	_ =	swait.ge [sflag:s30], $0x4000  }
0x8a: {  	[sflag:s30] =	ssyncset.done $0x0  }
0x8b: {  	[sflag:s30] =	ssyncadd.s32 $0xFFFFC000  }
0x8c: {  	_ =	swait.ge [sflag:s0], $0x4000  }
0x8d: {  	[sflag:s0] =	ssyncset.done $0x0  }
0x8e: {  	[sflag:s0] =	ssyncadd.s32 $0xFFFFC000  }
0x8f: {  	_ =	swait.ge [sflag:s10], $0x4000  }
0x90: {  	[sflag:s10] =	ssyncset.done $0x0  }
0x91: {  	[sflag:s10] =	ssyncadd.s32 $0xFFFFC000  }
0x92: {  	_ =	swait.ge [sflag:s12], $0x4000  }
0x93: {  	[sflag:s12] =	ssyncset.done $0x0  }
0x94: {  	[sflag:s12] =	ssyncadd.s32 $0xFFFFC000  }
0x95: {  	_ =	swait.ge [sflag:s17], $0x4000  }
0x96: {  	s19 =	sadd.s32 $0x1, s19;
	s4 =	rddreg [dreg:$0x7]  }
0x97: {  	p0 =	sne.s32 s19, s4  }
.Ltmp1:
0x98: {  	_ = 	snop;
	(pc) =	sbr.rel @p0 .LBB2_1-.Ltmp1, $3  }
0x99: {  	_ =	sdelay $0x1  }
0x9a: {  	[sflag:s17] =	ssyncset.done $0x0  }
0x9b: {  	[sflag:s17] =	ssyncadd.s32 $0xFFFFC000  }
0x9c: {  	_ =	sfence.sel $0x180000  }
0x9d: {  	[bflag:$0x0] =	sbarrier.arrive $0xFFFF  }
0x9e: {  	_ =	strace $0x90000047  }
0x9f: {  	s0 =	stileid.u32;
	[bflag:$0x2] =	sbarrier.arrive $0xFFFF  }
0xa0: {  	p0 =	sne.s32 s0, $0x0;
	s0 =	rddreg [dreg:$0x3]  }
0xa1: {  	s0 =	sadd.s32 @!p0 $0x100000, s0  }
0xa2: {  	[sflag:s0] =	ssyncadd.tile.s32 @!p0 $0x1;
	_ =	shalt  }
.Lfunc_end2:
_tile_overlayer_lowered:
.L_overlay_start_2:
0xa3: {  	(tag) =	ssettag $0x2  }
0xa4: {  	s0 =	rddreg [dreg:$0x0];
	s2 =	stileid.u32  }
0xa5: {  	s1 =	rddreg [dreg:$0x1];
	p0 =	sne.s32 s2, $0x0  }
0xa6: {  	s3 =	rddreg [dreg:$0x2];
	[bflag:$0x3] =	sbarrier.arrive $0xFFFF;
	s2 =	simm.s32 @!p0 $0x1C0B  }
0xa7: {  	[timem:s3], [sflag:s2] =	dma.local @!p0 [hbm:s0], s1  }
0xa8: {  	s0 =	simm.s32 @!p0 $0xB  }
0xa9: {  	_ =	swait.ge @!p0 [sflag:s0], s1  }
0xaa: {  	s1 =	ssub.s32 @!p0 $0x0, s1;
	[sflag:s0] =	ssyncset.done @!p0 $0x0  }
0xab: {  	[sflag:s0] =	ssyncadd.s32 @!p0 s1  }
0xac: {  	[bflag:$0x3] =	sbarrier.arrive $0xFFFF  }
0xad: {  	_ =	shalt  }

</sc_bundles>
